<compile_context>
chip_gen: v7x
topology: tpu7x:2x2x1
jax: 0.10.2.dev20260603
libtpu: 0.0.44.dev20260713+nightly
codegen_flags: <defaults>
</compile_context>

<pallas_src>
import jax
import jax.numpy as jnp
from jax import lax
from jax.experimental import pallas as pl
from jax.experimental.pallas import tpu as pltpu
from jax.experimental.pallas import tpu_sc as plsc

NC = 2
NS = 16
NW = NC * NS
LANES = 128
SLOT = 64
PADROWS = 56
NBUF = 5
VL = 16


def _mesh():
    return plsc.VectorSubcoreMesh(
        core_axis_name="c", subcore_axis_name="s", num_cores=NC, num_subcores=NS
    )


def _wid():
    return lax.axis_index("s") * NC + lax.axis_index("c")


def _repack_body(n_l, xp_hbm, idx3_hbm, slab_v, flat_v, sem):
    n_b = xp_hbm.shape[0] // NW
    n_rows = idx3_hbm.shape[1]
    wid = _wid()

    pltpu.sync_copy(xp_hbm.at[pl.ds(wid * n_b, n_b)], slab_v)

    ks = list(range(0, n_l - VL, VL)) + [n_l - VL]

    def rloop(r, carry):
        flat_v[pl.ds(SLOT * r + SLOT - VL, VL)] = slab_v[r, pl.ds(0, VL)]
        for k in ks:
            flat_v[pl.ds(SLOT * r + k, VL)] = slab_v[r, pl.ds(k, VL)]
        return carry

    lax.fori_loop(0, n_b, rloop, 0)

    def wstart(rr, carry):
        pltpu.async_copy(
            flat_v.at[pl.ds(LANES * rr, LANES)], idx3_hbm.at[wid, rr], sem
        )
        return carry

    lax.fori_loop(0, n_rows, wstart, 0)

    def wdrain(rr, carry):
        pltpu.make_async_copy(
            flat_v.at[pl.ds(LANES * rr, LANES)], idx3_hbm.at[wid, rr], sem
        ).wait()
        return carry

    lax.fori_loop(0, n_rows, wdrain, 0)


def _gather_body(table_hbm, idx3_hbm, out_hbm, idx_v, rows_v, gsems):
    n_rows = idx3_hbm.shape[1]
    wid = _wid()
    b0 = wid * (2 * n_rows)

    pltpu.sync_copy(idx3_hbm.at[wid], idx_v)

    def start_gather(j, buf):
        pltpu.async_copy(
            table_hbm.at[idx_v.at[j]], rows_v.at[buf], gsems.at[buf]
        )

    for j in range(NBUF - 1):
        start_gather(j, j)

    def step(j, carry):
        buf = lax.rem(j, NBUF)

        @pl.when(j + NBUF - 1 < n_rows)
        def _():
            start_gather(j + NBUF - 1, lax.rem(j + NBUF - 1, NBUF))

        pltpu.make_async_copy(
            table_hbm.at[idx_v.at[j]], rows_v.at[buf], gsems.at[buf]
        ).wait()
        pltpu.sync_copy(
            rows_v.at[buf, pl.ds(0, PADROWS)], out_hbm.at[b0 + 2 * j]
        )
        pltpu.sync_copy(
            rows_v.at[buf, pl.ds(SLOT, PADROWS)], out_hbm.at[b0 + 2 * j + 1]
        )
        return carry

    lax.fori_loop(0, n_rows, step, 0)


def kernel(x, table):
    b, l = x.shape
    emb = table.shape[1]
    assert b % NW == 0
    n_b = b // NW

    xp = jnp.pad(x.astype(jnp.int32), ((0, 0), (0, LANES - l)))
    tp = jnp.pad(table, ((0, 0), (0, LANES - emb)))

    repack = pl.kernel(
        lambda *args: _repack_body(l, *args),
        out_type=jax.ShapeDtypeStruct((NW, n_b * SLOT // LANES, LANES), jnp.int32),
        mesh=_mesh(),
        scratch_types=[
            pltpu.VMEM((n_b, LANES), jnp.int32),
            pltpu.VMEM((n_b * SLOT,), jnp.int32),
            pltpu.SemaphoreType.DMA,
        ],
        compiler_params=pltpu.CompilerParams(use_tc_tiling_on_sc=True),
    )
    idx3 = repack(xp)

    gather = pl.kernel(
        _gather_body,
        out_type=jax.ShapeDtypeStruct((b, PADROWS, LANES), jnp.float32),
        mesh=_mesh(),
        scratch_types=[
            pltpu.VMEM((n_b * SLOT // LANES, LANES), jnp.int32),
            pltpu.VMEM((NBUF, LANES, LANES), jnp.float32),
            pltpu.SemaphoreType.DMA((NBUF,)),
        ],
        compiler_params=pltpu.CompilerParams(use_tc_tiling_on_sc=False),
    )
    out = gather(tp, idx3)
    return out[:, :l, :emb]

# --- scband reference (transcript-rebuilt; emitter-appended) ---
"""Pipeline reference for scband-intent-embeddings-87780541595937 (READ-ONLY COPY).

The authoritative reference and input builder live on the scoring server;
editing this copy changes nothing except your own understanding.
"""

import jax, jax.numpy as jnp
import numpy as np

VOCAB = 1000000
EMB = 64
B = 16384
L = 50

def setup_inputs(seed: int = 0) -> dict:
    key = jax.random.key(seed)
    k1, k2 = jax.random.split(key)
    x = jax.random.randint(k1, (B, L), 0, VOCAB, dtype=jnp.int64 if jax.config.jax_enable_x64 else jnp.int32)
    table = jax.random.normal(k2, (VOCAB, EMB), dtype=jnp.float32)
    return {"x": x, "table": table}

def reference(x, table):
    # nn.Embedding lookup; dropout is identity in eval mode (deterministic reference)
    return jnp.take(table, x, axis=0)

if __name__ == "__main__":
    import jax
    _d = setup_inputs()
    print(jax.jit(kernel)(*tuple(_d.values())))

</pallas_src>

<mosaic_0001>
#map = affine_map<(d0, d1) -> (0, 0)>
#map1 = affine_map<(d0, d1) -> (0, 0, 0)>
module attributes {stable_mosaic.version = 14 : i64} {
  func.func @_lambda_(%arg0: i32, %arg1: i32, %arg2: memref<16384x128xi32, #tpu.memory_space<hbm>>, %arg3: memref<32x256x128xi32, #tpu.memory_space<hbm>>, %arg4: memref<512x128xi32, #tpu.memory_space<vmem>>, %arg5: memref<32768xi32, #tpu.memory_space<vmem>>, %arg6: memref<!tpu.dma_semaphore, #tpu.memory_space<semaphore_mem>>) attributes {dimension_semantics = [#tpu.dimension_semantics<core_parallel>, #tpu.dimension_semantics<subcore_parallel>], iteration_bounds = array<i64: 2, 16>, scalar_prefetch = 0 : i64, scratch_operands = 3 : i64, tpu.core_type = #tpu.core_type<sc_vector_subcore>, window_params = [{transform_indices = #map}, {transform_indices = #map1}]} {
    %mul3A = arith.constant 2 : i32
    %mul3A_0 = arith.muli %arg1, %mul3A : i32
    %add3A = arith.addi %mul3A_0, %arg0 : i32
    %mul3A_1 = arith.constant 512 : i32
    %mul3A_2 = arith.muli %add3A, %mul3A_1 : i32
    "tpu.region"() ({
      %run_scoped3A = tpu.sem_alloc : memref<!tpu.dma_semaphore, #tpu.memory_space<semaphore_mem>>
      %dma_start3A = arith.constant 0 : i32
      %dma_start3A_20 = tpu.memref_slice %arg2[%mul3A_2, %dma_start3A] : memref<16384x128xi32, #tpu.memory_space<hbm>> -> memref<512x128xi32, #tpu.memory_space<hbm>>
      %dma_start3A_21 = arith.constant 0 : i32
      %dma_start3A_22 = tpu.memref_slice %arg2[%mul3A_2, %dma_start3A_21] : memref<16384x128xi32, #tpu.memory_space<hbm>> -> memref<512x128xi32, #tpu.memory_space<hbm>>
      tpu.enqueue_dma source(%dma_start3A_22 : memref<512x128xi32, #tpu.memory_space<hbm>>) target(%arg4 : memref<512x128xi32, #tpu.memory_space<vmem>>) target_semaphore(%run_scoped3A : memref<!tpu.dma_semaphore, #tpu.memory_space<semaphore_mem>>)
      %dma_wait3A = arith.constant 0 : i32
      %dma_wait3A_23 = tpu.memref_slice %arg2[%mul3A_2, %dma_wait3A] : memref<16384x128xi32, #tpu.memory_space<hbm>> -> memref<512x128xi32, #tpu.memory_space<hbm>>
      %dma_wait3A_24 = arith.constant 0 : i32
      %dma_wait3A_25 = tpu.memref_slice %arg2[%mul3A_2, %dma_wait3A_24] : memref<16384x128xi32, #tpu.memory_space<hbm>> -> memref<512x128xi32, #tpu.memory_space<hbm>>
      tpu.wait_dma2 semaphore(%run_scoped3A : memref<!tpu.dma_semaphore, #tpu.memory_space<semaphore_mem>>) src(%dma_wait3A_25 : memref<512x128xi32, #tpu.memory_space<hbm>>) dst(%arg4 : memref<512x128xi32, #tpu.memory_space<vmem>>)
      tpu.yield
    }) : () -> ()
    %scan3A = arith.constant 0 : i32
    %scan3A_3 = arith.constant 0 : i32
    %scan3A_4 = arith.constant 512 : i32
    %scan3A_5 = arith.addi %scan3A_3, %scan3A_4 : i32
    %scan3A_6 = arith.constant 1 : i32
    scf.for %scan3A_20 = %scan3A_3 to %scan3A_5 step %scan3A_6  : i32 {
      %get3A = arith.index_cast %scan3A_20 : i32 to index
      %get3A_21 = arith.constant 0 : index
      %get3A_22 = tpu.vector_load %arg4[%get3A, %get3A_21] {strides = array<i32>} : memref<512x128xi32, #tpu.memory_space<vmem>>, vector<1x16xi32>,
      %get3A_23 = vector.shape_cast %get3A_22 : vector<1x16xi32> to vector<16xi32>
      %mul3A_24 = arith.constant 64 : i32
      %mul3A_25 = arith.muli %mul3A_24, %scan3A_20 : i32
      %add3A_26 = arith.constant 64 : i32
      %add3A_27 = arith.addi %mul3A_25, %add3A_26 : i32
      %sub3A = arith.constant 16 : i32
      %sub3A_28 = arith.subi %add3A_27, %sub3A : i32
      %swap3A = arith.index_cast %sub3A_28 : i32 to index
      %swap3A_29 = tpu.vector_load %arg5[%swap3A] {strides = array<i32>} : memref<32768xi32, #tpu.memory_space<vmem>>, vector<16xi32>,
      %swap3A_30 = vector.shape_cast %swap3A_29 : vector<16xi32> to vector<16xi32>
      %swap3A_31 = vector.shape_cast %get3A_23 : vector<16xi32> to vector<16xi32>
      tpu.vector_store %arg5[%swap3A], %swap3A_31 {strides = array<i32>} : memref<32768xi32, #tpu.memory_space<vmem>>, vector<16xi32>,
      %get3A_32 = arith.index_cast %scan3A_20 : i32 to index
      %get3A_33 = arith.constant 0 : index
      %get3A_34 = tpu.vector_load %arg4[%get3A_32, %get3A_33] {strides = array<i32>} : memref<512x128xi32, #tpu.memory_space<vmem>>, vector<1x16xi32>,
      %get3A_35 = vector.shape_cast %get3A_34 : vector<1x16xi32> to vector<16xi32>
      %mul3A_36 = arith.constant 64 : i32
      %mul3A_37 = arith.muli %mul3A_36, %scan3A_20 : i32
      %add3A_38 = arith.constant 0 : i32
      %add3A_39 = arith.addi %mul3A_37, %add3A_38 : i32
      %swap3A_40 = arith.index_cast %add3A_39 : i32 to index
      %swap3A_41 = tpu.vector_load %arg5[%swap3A_40] {strides = array<i32>} : memref<32768xi32, #tpu.memory_space<vmem>>, vector<16xi32>,
      %swap3A_42 = vector.shape_cast %swap3A_41 : vector<16xi32> to vector<16xi32>
      %swap3A_43 = vector.shape_cast %get3A_35 : vector<16xi32> to vector<16xi32>
      tpu.vector_store %arg5[%swap3A_40], %swap3A_43 {strides = array<i32>} : memref<32768xi32, #tpu.memory_space<vmem>>, vector<16xi32>,
      %get3A_44 = arith.index_cast %scan3A_20 : i32 to index
      %get3A_45 = arith.constant 16 : index
      %get3A_46 = tpu.vector_load %arg4[%get3A_44, %get3A_45] {strides = array<i32>} : memref<512x128xi32, #tpu.memory_space<vmem>>, vector<1x16xi32>,
      %get3A_47 = vector.shape_cast %get3A_46 : vector<1x16xi32> to vector<16xi32>
      %mul3A_48 = arith.constant 64 : i32
      %mul3A_49 = arith.muli %mul3A_48, %scan3A_20 : i32
      %add3A_50 = arith.constant 16 : i32
      %add3A_51 = arith.addi %mul3A_49, %add3A_50 : i32
      %swap3A_52 = arith.index_cast %add3A_51 : i32 to index
      %swap3A_53 = tpu.vector_load %arg5[%swap3A_52] {strides = array<i32>} : memref<32768xi32, #tpu.memory_space<vmem>>, vector<16xi32>,
      %swap3A_54 = vector.shape_cast %swap3A_53 : vector<16xi32> to vector<16xi32>
      %swap3A_55 = vector.shape_cast %get3A_47 : vector<16xi32> to vector<16xi32>
      tpu.vector_store %arg5[%swap3A_52], %swap3A_55 {strides = array<i32>} : memref<32768xi32, #tpu.memory_space<vmem>>, vector<16xi32>,
      %get3A_56 = arith.index_cast %scan3A_20 : i32 to index
      %get3A_57 = arith.constant 32 : index
      %get3A_58 = tpu.vector_load %arg4[%get3A_56, %get3A_57] {strides = array<i32>} : memref<512x128xi32, #tpu.memory_space<vmem>>, vector<1x16xi32>,
      %get3A_59 = vector.shape_cast %get3A_58 : vector<1x16xi32> to vector<16xi32>
      %mul3A_60 = arith.constant 64 : i32
      %mul3A_61 = arith.muli %mul3A_60, %scan3A_20 : i32
      %add3A_62 = arith.constant 32 : i32
      %add3A_63 = arith.addi %mul3A_61, %add3A_62 : i32
      %swap3A_64 = arith.index_cast %add3A_63 : i32 to index
      %swap3A_65 = tpu.vector_load %arg5[%swap3A_64] {strides = array<i32>} : memref<32768xi32, #tpu.memory_space<vmem>>, vector<16xi32>,
      %swap3A_66 = vector.shape_cast %swap3A_65 : vector<16xi32> to vector<16xi32>
      %swap3A_67 = vector.shape_cast %get3A_59 : vector<16xi32> to vector<16xi32>
      tpu.vector_store %arg5[%swap3A_64], %swap3A_67 {strides = array<i32>} : memref<32768xi32, #tpu.memory_space<vmem>>, vector<16xi32>,
      %get3A_68 = arith.index_cast %scan3A_20 : i32 to index
      %get3A_69 = arith.constant 34 : index
      %get3A_70 = tpu.vector_load %arg4[%get3A_68, %get3A_69] {strides = array<i32>} : memref<512x128xi32, #tpu.memory_space<vmem>>, vector<1x16xi32>,
      %get3A_71 = vector.shape_cast %get3A_70 : vector<1x16xi32> to vector<16xi32>
      %mul3A_72 = arith.constant 64 : i32
      %mul3A_73 = arith.muli %mul3A_72, %scan3A_20 : i32
      %add3A_74 = arith.constant 34 : i32
      %add3A_75 = arith.addi %mul3A_73, %add3A_74 : i32
      %swap3A_76 = arith.index_cast %add3A_75 : i32 to index
      %swap3A_77 = tpu.vector_load %arg5[%swap3A_76] {strides = array<i32>} : memref<32768xi32, #tpu.memory_space<vmem>>, vector<16xi32>,
      %swap3A_78 = vector.shape_cast %swap3A_77 : vector<16xi32> to vector<16xi32>
      %swap3A_79 = vector.shape_cast %get3A_71 : vector<16xi32> to vector<16xi32>
      tpu.vector_store %arg5[%swap3A_76], %swap3A_79 {strides = array<i32>} : memref<32768xi32, #tpu.memory_space<vmem>>, vector<16xi32>,
    }
    %scan3A_7 = arith.constant 512 : i32
    %scan3A_8 = arith.constant 0 : i32
    %scan3A_9 = arith.constant 0 : i32
    %scan3A_10 = arith.constant 256 : i32
    %scan3A_11 = arith.addi %scan3A_9, %scan3A_10 : i32
    %scan3A_12 = arith.constant 1 : i32
    scf.for %scan3A_20 = %scan3A_9 to %scan3A_11 step %scan3A_12  : i32 {
      %mul3A_21 = arith.constant 128 : i32
      %mul3A_22 = arith.muli %mul3A_21, %scan3A_20 : i32
      %dma_start3A = tpu.memref_slice %arg5[%mul3A_22] : memref<32768xi32, #tpu.memory_space<vmem>> -> memref<128xi32, #tpu.memory_space<vmem>>
      %dma_start3A_23 = arith.constant 0 : i32
      %dma_start3A_24 = tpu.memref_slice %arg3[%add3A, %scan3A_20, %dma_start3A_23] : memref<32x256x128xi32, #tpu.memory_space<hbm>> -> memref<1x1x128xi32, #tpu.memory_space<hbm>>
      %dma_start3A_25 = tpu.memref_squeeze %dma_start3A_24 : memref<1x1x128xi32, #tpu.memory_space<hbm>> -> memref<128xi32, #tpu.memory_space<hbm>>
      %dma_start3A_26 = arith.constant 0 : i32
      %dma_start3A_27 = tpu.memref_slice %arg3[%add3A, %scan3A_20, %dma_start3A_26] : memref<32x256x128xi32, #tpu.memory_space<hbm>> -> memref<1x1x128xi32, #tpu.memory_space<hbm>>
      %dma_start3A_28 = tpu.memref_squeeze %dma_start3A_27 : memref<1x1x128xi32, #tpu.memory_space<hbm>> -> memref<128xi32, #tpu.memory_space<hbm>>
      %dma_start3A_29 = tpu.memref_slice %arg5[%mul3A_22] : memref<32768xi32, #tpu.memory_space<vmem>> -> memref<128xi32, #tpu.memory_space<vmem>>
      tpu.enqueue_dma source(%dma_start3A_29 : memref<128xi32, #tpu.memory_space<vmem>>) target(%dma_start3A_28 : memref<128xi32, #tpu.memory_space<hbm>>) target_semaphore(%arg6 : memref<!tpu.dma_semaphore, #tpu.memory_space<semaphore_mem>>)
    }
    %scan3A_13 = arith.constant 256 : i32
    %scan3A_14 = arith.constant 0 : i32
    %scan3A_15 = arith.constant 0 : i32
    %scan3A_16 = arith.constant 256 : i32
    %scan3A_17 = arith.addi %scan3A_15, %scan3A_16 : i32
    %scan3A_18 = arith.constant 1 : i32
    scf.for %scan3A_20 = %scan3A_15 to %scan3A_17 step %scan3A_18  : i32 {
      %mul3A_21 = arith.constant 128 : i32
      %mul3A_22 = arith.muli %mul3A_21, %scan3A_20 : i32
      %dma_wait3A = tpu.memref_slice %arg5[%mul3A_22] : memref<32768xi32, #tpu.memory_space<vmem>> -> memref<128xi32, #tpu.memory_space<vmem>>
      %dma_wait3A_23 = arith.constant 0 : i32
      %dma_wait3A_24 = tpu.memref_slice %arg3[%add3A, %scan3A_20, %dma_wait3A_23] : memref<32x256x128xi32, #tpu.memory_space<hbm>> -> memref<1x1x128xi32, #tpu.memory_space<hbm>>
      %dma_wait3A_25 = tpu.memref_squeeze %dma_wait3A_24 : memref<1x1x128xi32, #tpu.memory_space<hbm>> -> memref<128xi32, #tpu.memory_space<hbm>>
      %dma_wait3A_26 = arith.constant 0 : i32
      %dma_wait3A_27 = tpu.memref_slice %arg3[%add3A, %scan3A_20, %dma_wait3A_26] : memref<32x256x128xi32, #tpu.memory_space<hbm>> -> memref<1x1x128xi32, #tpu.memory_space<hbm>>
      %dma_wait3A_28 = tpu.memref_squeeze %dma_wait3A_27 : memref<1x1x128xi32, #tpu.memory_space<hbm>> -> memref<128xi32, #tpu.memory_space<hbm>>
      %dma_wait3A_29 = tpu.memref_slice %arg5[%mul3A_22] : memref<32768xi32, #tpu.memory_space<vmem>> -> memref<128xi32, #tpu.memory_space<vmem>>
      tpu.wait_dma2 semaphore(%arg6 : memref<!tpu.dma_semaphore, #tpu.memory_space<semaphore_mem>>) src(%dma_wait3A_29 : memref<128xi32, #tpu.memory_space<vmem>>) dst(%dma_wait3A_28 : memref<128xi32, #tpu.memory_space<hbm>>)
    }
    %scan3A_19 = arith.constant 256 : i32
    return
  }
}

#map = affine_map<(d0, d1) -> (0, 0)>
#map1 = affine_map<(d0, d1) -> (0, 0, 0)>
module attributes {stable_mosaic.version = 14 : i64} {
  func.func @_gather_body(%arg0: i32, %arg1: i32, %arg2: memref<1000000x128xf32, #tpu.memory_space<hbm>>, %arg3: memref<32x256x128xi32, #tpu.memory_space<hbm>>, %arg4: memref<16384x56x128xf32, #tpu.memory_space<hbm>>, %arg5: memref<256x128xi32, #tpu.memory_space<vmem>>, %arg6: memref<5x128x128xf32, #tpu.memory_space<vmem>>, %arg7: memref<5x!tpu.dma_semaphore, #tpu.memory_space<semaphore_mem>>) attributes {dimension_semantics = [#tpu.dimension_semantics<core_parallel>, #tpu.dimension_semantics<subcore_parallel>], iteration_bounds = array<i64: 2, 16>, scalar_prefetch = 0 : i64, scratch_operands = 3 : i64, tpu.core_type = #tpu.core_type<sc_vector_subcore>, window_params = [{transform_indices = #map}, {transform_indices = #map1}, {transform_indices = #map1}]} {
    %mul3A = arith.constant 2 : i32
    %mul3A_0 = arith.muli %arg1, %mul3A : i32
    %add3A = arith.addi %mul3A_0, %arg0 : i32
    %mul3A_1 = arith.constant 512 : i32
    %mul3A_2 = arith.muli %add3A, %mul3A_1 : i32
    "tpu.region"() ({
      %run_scoped3A = tpu.sem_alloc : memref<!tpu.dma_semaphore, #tpu.memory_space<semaphore_mem>>
      %dma_start3A_67 = arith.constant 0 : i32
      %dma_start3A_68 = arith.constant 0 : i32
      %dma_start3A_69 = tpu.memref_slice %arg3[%add3A, %dma_start3A_67, %dma_start3A_68] : memref<32x256x128xi32, #tpu.memory_space<hbm>> -> memref<1x256x128xi32, #tpu.memory_space<hbm>>
      %dma_start3A_70 = tpu.memref_squeeze %dma_start3A_69 : memref<1x256x128xi32, #tpu.memory_space<hbm>> -> memref<256x128xi32, #tpu.memory_space<hbm>>
      %dma_start3A_71 = arith.constant 0 : i32
      %dma_start3A_72 = arith.constant 0 : i32
      %dma_start3A_73 = tpu.memref_slice %arg3[%add3A, %dma_start3A_71, %dma_start3A_72] : memref<32x256x128xi32, #tpu.memory_space<hbm>> -> memref<1x256x128xi32, #tpu.memory_space<hbm>>
      %dma_start3A_74 = tpu.memref_squeeze %dma_start3A_73 : memref<1x256x128xi32, #tpu.memory_space<hbm>> -> memref<256x128xi32, #tpu.memory_space<hbm>>
      tpu.enqueue_dma source(%dma_start3A_74 : memref<256x128xi32, #tpu.memory_space<hbm>>) target(%arg5 : memref<256x128xi32, #tpu.memory_space<vmem>>) target_semaphore(%run_scoped3A : memref<!tpu.dma_semaphore, #tpu.memory_space<semaphore_mem>>)
      %dma_wait3A = arith.constant 0 : i32
      %dma_wait3A_75 = arith.constant 0 : i32
      %dma_wait3A_76 = tpu.memref_slice %arg3[%add3A, %dma_wait3A, %dma_wait3A_75] : memref<32x256x128xi32, #tpu.memory_space<hbm>> -> memref<1x256x128xi32, #tpu.memory_space<hbm>>
      %dma_wait3A_77 = tpu.memref_squeeze %dma_wait3A_76 : memref<1x256x128xi32, #tpu.memory_space<hbm>> -> memref<256x128xi32, #tpu.memory_space<hbm>>
      %dma_wait3A_78 = arith.constant 0 : i32
      %dma_wait3A_79 = arith.constant 0 : i32
      %dma_wait3A_80 = tpu.memref_slice %arg3[%add3A, %dma_wait3A_78, %dma_wait3A_79] : memref<32x256x128xi32, #tpu.memory_space<hbm>> -> memref<1x256x128xi32, #tpu.memory_space<hbm>>
      %dma_wait3A_81 = tpu.memref_squeeze %dma_wait3A_80 : memref<1x256x128xi32, #tpu.memory_space<hbm>> -> memref<256x128xi32, #tpu.memory_space<hbm>>
      tpu.wait_dma2 semaphore(%run_scoped3A : memref<!tpu.dma_semaphore, #tpu.memory_space<semaphore_mem>>) src(%dma_wait3A_81 : memref<256x128xi32, #tpu.memory_space<hbm>>) dst(%arg5 : memref<256x128xi32, #tpu.memory_space<vmem>>)
      tpu.yield
    }) : () -> ()
    %dma_start3A = arith.constant 0 : i32
    %dma_start3A_3 = arith.constant 0 : i32
    %dma_start3A_4 = arith.constant 0 : i32
    %dma_start3A_5 = arith.constant 0 : i32
    %dma_start3A_6 = arith.constant 0 : i32
    %dma_start3A_7 = tpu.memref_slice %arg6[%dma_start3A_3, %dma_start3A_5, %dma_start3A_6] : memref<5x128x128xf32, #tpu.memory_space<vmem>> -> memref<1x128x128xf32, #tpu.memory_space<vmem>>
    %dma_start3A_8 = tpu.memref_squeeze %dma_start3A_7 : memref<1x128x128xf32, #tpu.memory_space<vmem>> -> memref<128x128xf32, #tpu.memory_space<vmem>>
    %dma_start3A_9 = arith.constant 0 : i32
    %dma_start3A_10 = tpu.memref_slice %arg5[%dma_start3A, %dma_start3A_9] : memref<256x128xi32, #tpu.memory_space<vmem>> -> memref<1x128xi32, #tpu.memory_space<vmem>>
    %dma_start3A_11 = tpu.memref_squeeze %dma_start3A_10 : memref<1x128xi32, #tpu.memory_space<vmem>> -> memref<128xi32, #tpu.memory_space<vmem>>
    %dma_start3A_12 = arith.constant 0 : i32
    %dma_start3A_13 = arith.constant 0 : i32
    %dma_start3A_14 = tpu.memref_slice %arg2[%dma_start3A_12, %dma_start3A_13] : memref<1000000x128xf32, #tpu.memory_space<hbm>> -> memref<1000000x128xf32, #tpu.memory_space<hbm>>
    %dma_start3A_15 = tpu.memref_slice %arg7[%dma_start3A_4] : memref<5x!tpu.dma_semaphore, #tpu.memory_space<semaphore_mem>> -> memref<1x!tpu.dma_semaphore, #tpu.memory_space<semaphore_mem>>
    %dma_start3A_16 = tpu.memref_squeeze %dma_start3A_15 : memref<1x!tpu.dma_semaphore, #tpu.memory_space<semaphore_mem>> -> memref<!tpu.dma_semaphore, #tpu.memory_space<semaphore_mem>>
    tpu.enqueue_indirect_dma source(%dma_start3A_14 : memref<1000000x128xf32, #tpu.memory_space<hbm>>) target(%dma_start3A_8 : memref<128x128xf32, #tpu.memory_space<vmem>>) offsets(%dma_start3A_11 : memref<128xi32, #tpu.memory_space<vmem>>) semaphore(%dma_start3A_16 : memref<!tpu.dma_semaphore, #tpu.memory_space<semaphore_mem>>)
    %dma_start3A_17 = arith.constant 1 : i32
    %dma_start3A_18 = arith.constant 1 : i32
    %dma_start3A_19 = arith.constant 1 : i32
    %dma_start3A_20 = arith.constant 0 : i32
    %dma_start3A_21 = arith.constant 0 : i32
    %dma_start3A_22 = tpu.memref_slice %arg6[%dma_start3A_18, %dma_start3A_20, %dma_start3A_21] : memref<5x128x128xf32, #tpu.memory_space<vmem>> -> memref<1x128x128xf32, #tpu.memory_space<vmem>>
    %dma_start3A_23 = tpu.memref_squeeze %dma_start3A_22 : memref<1x128x128xf32, #tpu.memory_space<vmem>> -> memref<128x128xf32, #tpu.memory_space<vmem>>
    %dma_start3A_24 = arith.constant 0 : i32
    %dma_start3A_25 = tpu.memref_slice %arg5[%dma_start3A_17, %dma_start3A_24] : memref<256x128xi32, #tpu.memory_space<vmem>> -> memref<1x128xi32, #tpu.memory_space<vmem>>
    %dma_start3A_26 = tpu.memref_squeeze %dma_start3A_25 : memref<1x128xi32, #tpu.memory_space<vmem>> -> memref<128xi32, #tpu.memory_space<vmem>>
    %dma_start3A_27 = arith.constant 0 : i32
    %dma_start3A_28 = arith.constant 0 : i32
    %dma_start3A_29 = tpu.memref_slice %arg2[%dma_start3A_27, %dma_start3A_28] : memref<1000000x128xf32, #tpu.memory_space<hbm>> -> memref<1000000x128xf32, #tpu.memory_space<hbm>>
    %dma_start3A_30 = tpu.memref_slice %arg7[%dma_start3A_19] : memref<5x!tpu.dma_semaphore, #tpu.memory_space<semaphore_mem>> -> memref<1x!tpu.dma_semaphore, #tpu.memory_space<semaphore_mem>>
    %dma_start3A_31 = tpu.memref_squeeze %dma_start3A_30 : memref<1x!tpu.dma_semaphore, #tpu.memory_space<semaphore_mem>> -> memref<!tpu.dma_semaphore, #tpu.memory_space<semaphore_mem>>
    tpu.enqueue_indirect_dma source(%dma_start3A_29 : memref<1000000x128xf32, #tpu.memory_space<hbm>>) target(%dma_start3A_23 : memref<128x128xf32, #tpu.memory_space<vmem>>) offsets(%dma_start3A_26 : memref<128xi32, #tpu.memory_space<vmem>>) semaphore(%dma_start3A_31 : memref<!tpu.dma_semaphore, #tpu.memory_space<semaphore_mem>>)
    %dma_start3A_32 = arith.constant 2 : i32
    %dma_start3A_33 = arith.constant 2 : i32
    %dma_start3A_34 = arith.constant 2 : i32
    %dma_start3A_35 = arith.constant 0 : i32
    %dma_start3A_36 = arith.constant 0 : i32
    %dma_start3A_37 = tpu.memref_slice %arg6[%dma_start3A_33, %dma_start3A_35, %dma_start3A_36] : memref<5x128x128xf32, #tpu.memory_space<vmem>> -> memref<1x128x128xf32, #tpu.memory_space<vmem>>
    %dma_start3A_38 = tpu.memref_squeeze %dma_start3A_37 : memref<1x128x128xf32, #tpu.memory_space<vmem>> -> memref<128x128xf32, #tpu.memory_space<vmem>>
    %dma_start3A_39 = arith.constant 0 : i32
    %dma_start3A_40 = tpu.memref_slice %arg5[%dma_start3A_32, %dma_start3A_39] : memref<256x128xi32, #tpu.memory_space<vmem>> -> memref<1x128xi32, #tpu.memory_space<vmem>>
    %dma_start3A_41 = tpu.memref_squeeze %dma_start3A_40 : memref<1x128xi32, #tpu.memory_space<vmem>> -> memref<128xi32, #tpu.memory_space<vmem>>
    %dma_start3A_42 = arith.constant 0 : i32
    %dma_start3A_43 = arith.constant 0 : i32
    %dma_start3A_44 = tpu.memref_slice %arg2[%dma_start3A_42, %dma_start3A_43] : memref<1000000x128xf32, #tpu.memory_space<hbm>> -> memref<1000000x128xf32, #tpu.memory_space<hbm>>
    %dma_start3A_45 = tpu.memref_slice %arg7[%dma_start3A_34] : memref<5x!tpu.dma_semaphore, #tpu.memory_space<semaphore_mem>> -> memref<1x!tpu.dma_semaphore, #tpu.memory_space<semaphore_mem>>
    %dma_start3A_46 = tpu.memref_squeeze %dma_start3A_45 : memref<1x!tpu.dma_semaphore, #tpu.memory_space<semaphore_mem>> -> memref<!tpu.dma_semaphore, #tpu.memory_space<semaphore_mem>>
    tpu.enqueue_indirect_dma source(%dma_start3A_44 : memref<1000000x128xf32, #tpu.memory_space<hbm>>) target(%dma_start3A_38 : memref<128x128xf32, #tpu.memory_space<vmem>>) offsets(%dma_start3A_41 : memref<128xi32, #tpu.memory_space<vmem>>) semaphore(%dma_start3A_46 : memref<!tpu.dma_semaphore, #tpu.memory_space<semaphore_mem>>)
    %dma_start3A_47 = arith.constant 3 : i32
    %dma_start3A_48 = arith.constant 3 : i32
    %dma_start3A_49 = arith.constant 3 : i32
    %dma_start3A_50 = arith.constant 0 : i32
    %dma_start3A_51 = arith.constant 0 : i32
    %dma_start3A_52 = tpu.memref_slice %arg6[%dma_start3A_48, %dma_start3A_50, %dma_start3A_51] : memref<5x128x128xf32, #tpu.memory_space<vmem>> -> memref<1x128x128xf32, #tpu.memory_space<vmem>>
    %dma_start3A_53 = tpu.memref_squeeze %dma_start3A_52 : memref<1x128x128xf32, #tpu.memory_space<vmem>> -> memref<128x128xf32, #tpu.memory_space<vmem>>
    %dma_start3A_54 = arith.constant 0 : i32
    %dma_start3A_55 = tpu.memref_slice %arg5[%dma_start3A_47, %dma_start3A_54] : memref<256x128xi32, #tpu.memory_space<vmem>> -> memref<1x128xi32, #tpu.memory_space<vmem>>
    %dma_start3A_56 = tpu.memref_squeeze %dma_start3A_55 : memref<1x128xi32, #tpu.memory_space<vmem>> -> memref<128xi32, #tpu.memory_space<vmem>>
    %dma_start3A_57 = arith.constant 0 : i32
    %dma_start3A_58 = arith.constant 0 : i32
    %dma_start3A_59 = tpu.memref_slice %arg2[%dma_start3A_57, %dma_start3A_58] : memref<1000000x128xf32, #tpu.memory_space<hbm>> -> memref<1000000x128xf32, #tpu.memory_space<hbm>>
    %dma_start3A_60 = tpu.memref_slice %arg7[%dma_start3A_49] : memref<5x!tpu.dma_semaphore, #tpu.memory_space<semaphore_mem>> -> memref<1x!tpu.dma_semaphore, #tpu.memory_space<semaphore_mem>>
    %dma_start3A_61 = tpu.memref_squeeze %dma_start3A_60 : memref<1x!tpu.dma_semaphore, #tpu.memory_space<semaphore_mem>> -> memref<!tpu.dma_semaphore, #tpu.memory_space<semaphore_mem>>
    tpu.enqueue_indirect_dma source(%dma_start3A_59 : memref<1000000x128xf32, #tpu.memory_space<hbm>>) target(%dma_start3A_53 : memref<128x128xf32, #tpu.memory_space<vmem>>) offsets(%dma_start3A_56 : memref<128xi32, #tpu.memory_space<vmem>>) semaphore(%dma_start3A_61 : memref<!tpu.dma_semaphore, #tpu.memory_space<semaphore_mem>>)
    %scan3A = arith.constant 0 : i32
    %scan3A_62 = arith.constant 0 : i32
    %scan3A_63 = arith.constant 256 : i32
    %scan3A_64 = arith.addi %scan3A_62, %scan3A_63 : i32
    %scan3A_65 = arith.constant 1 : i32
    scf.for %scan3A_67 = %scan3A_62 to %scan3A_64 step %scan3A_65  : i32 {
      %rem3A = arith.constant 5 : i32
      %rem3A_68 = arith.remsi %scan3A_67, %rem3A : i32
      %add3A_69 = arith.constant 5 : i32
      %add3A_70 = arith.addi %scan3A_67, %add3A_69 : i32
      %sub3A = arith.constant 1 : i32
      %sub3A_71 = arith.subi %add3A_70, %sub3A : i32
      %lt3A = arith.constant 256 : i32
      %lt3A_72 = arith.cmpi slt, %sub3A_71, %lt3A : i32
      %convert_element_type3A = arith.extui %lt3A_72 : i1 to i32
      %cond3A = arith.constant 0 : i32
      %cond3A_73 = arith.cmpi ne, %convert_element_type3A, %cond3A : i32
      scf.if %cond3A_73 {
        %add3A_93 = arith.constant 5 : i32
        %add3A_94 = arith.addi %scan3A_67, %add3A_93 : i32
        %sub3A_95 = arith.constant 1 : i32
        %sub3A_96 = arith.subi %add3A_94, %sub3A_95 : i32
        %add3A_97 = arith.constant 5 : i32
        %add3A_98 = arith.addi %scan3A_67, %add3A_97 : i32
        %sub3A_99 = arith.constant 1 : i32
        %sub3A_100 = arith.subi %add3A_98, %sub3A_99 : i32
        %rem3A_101 = arith.constant 5 : i32
        %rem3A_102 = arith.remsi %sub3A_100, %rem3A_101 : i32
        %dma_start3A_103 = arith.constant 0 : i32
        %dma_start3A_104 = arith.constant 0 : i32
        %dma_start3A_105 = tpu.memref_slice %arg6[%rem3A_102, %dma_start3A_103, %dma_start3A_104] : memref<5x128x128xf32, #tpu.memory_space<vmem>> -> memref<1x128x128xf32, #tpu.memory_space<vmem>>
        %dma_start3A_106 = tpu.memref_squeeze %dma_start3A_105 : memref<1x128x128xf32, #tpu.memory_space<vmem>> -> memref<128x128xf32, #tpu.memory_space<vmem>>
        %dma_start3A_107 = arith.constant 0 : i32
        %dma_start3A_108 = tpu.memref_slice %arg5[%sub3A_96, %dma_start3A_107] : memref<256x128xi32, #tpu.memory_space<vmem>> -> memref<1x128xi32, #tpu.memory_space<vmem>>
        %dma_start3A_109 = tpu.memref_squeeze %dma_start3A_108 : memref<1x128xi32, #tpu.memory_space<vmem>> -> memref<128xi32, #tpu.memory_space<vmem>>
        %dma_start3A_110 = arith.constant 0 : i32
        %dma_start3A_111 = arith.constant 0 : i32
        %dma_start3A_112 = tpu.memref_slice %arg2[%dma_start3A_110, %dma_start3A_111] : memref<1000000x128xf32, #tpu.memory_space<hbm>> -> memref<1000000x128xf32, #tpu.memory_space<hbm>>
        %dma_start3A_113 = tpu.memref_slice %arg7[%rem3A_102] : memref<5x!tpu.dma_semaphore, #tpu.memory_space<semaphore_mem>> -> memref<1x!tpu.dma_semaphore, #tpu.memory_space<semaphore_mem>>
        %dma_start3A_114 = tpu.memref_squeeze %dma_start3A_113 : memref<1x!tpu.dma_semaphore, #tpu.memory_space<semaphore_mem>> -> memref<!tpu.dma_semaphore, #tpu.memory_space<semaphore_mem>>
        tpu.enqueue_indirect_dma source(%dma_start3A_112 : memref<1000000x128xf32, #tpu.memory_space<hbm>>) target(%dma_start3A_106 : memref<128x128xf32, #tpu.memory_space<vmem>>) offsets(%dma_start3A_109 : memref<128xi32, #tpu.memory_space<vmem>>) semaphore(%dma_start3A_114 : memref<!tpu.dma_semaphore, #tpu.memory_space<semaphore_mem>>)
      } else {
      }
      %dma_wait3A = arith.constant 0 : i32
      %dma_wait3A_74 = arith.constant 0 : i32
      %dma_wait3A_75 = tpu.memref_slice %arg6[%rem3A_68, %dma_wait3A, %dma_wait3A_74] : memref<5x128x128xf32, #tpu.memory_space<vmem>> -> memref<1x128x128xf32, #tpu.memory_space<vmem>>
      %dma_wait3A_76 = tpu.memref_squeeze %dma_wait3A_75 : memref<1x128x128xf32, #tpu.memory_space<vmem>> -> memref<128x128xf32, #tpu.memory_space<vmem>>
      %dma_wait3A_77 = arith.constant 0 : i32
      %dma_wait3A_78 = tpu.memref_slice %arg5[%scan3A_67, %dma_wait3A_77] : memref<256x128xi32, #tpu.memory_space<vmem>> -> memref<1x128xi32, #tpu.memory_space<vmem>>
      %dma_wait3A_79 = tpu.memref_squeeze %dma_wait3A_78 : memref<1x128xi32, #tpu.memory_space<vmem>> -> memref<128xi32, #tpu.memory_space<vmem>>
      %dma_wait3A_80 = arith.constant 0 : i32
      %dma_wait3A_81 = arith.constant 0 : i32
      %dma_wait3A_82 = tpu.memref_slice %arg2[%dma_wait3A_80, %dma_wait3A_81] : memref<1000000x128xf32, #tpu.memory_space<hbm>> -> memref<1000000x128xf32, #tpu.memory_space<hbm>>
      %dma_wait3A_83 = tpu.memref_slice %arg7[%rem3A_68] : memref<5x!tpu.dma_semaphore, #tpu.memory_space<semaphore_mem>> -> memref<1x!tpu.dma_semaphore, #tpu.memory_space<semaphore_mem>>
      %dma_wait3A_84 = tpu.memref_squeeze %dma_wait3A_83 : memref<1x!tpu.dma_semaphore, #tpu.memory_space<semaphore_mem>> -> memref<!tpu.dma_semaphore, #tpu.memory_space<semaphore_mem>>
      tpu.wait_indirect_dma semaphore(%dma_wait3A_84 : memref<!tpu.dma_semaphore, #tpu.memory_space<semaphore_mem>>) src(%dma_wait3A_82 : memref<1000000x128xf32, #tpu.memory_space<hbm>>) dst(%dma_wait3A_76 : memref<128x128xf32, #tpu.memory_space<vmem>>)
      %mul3A_85 = arith.constant 2 : i32
      %mul3A_86 = arith.muli %mul3A_85, %scan3A_67 : i32
      %add3A_87 = arith.addi %mul3A_2, %mul3A_86 : i32
      "tpu.region"() ({
        %run_scoped3A = tpu.sem_alloc : memref<!tpu.dma_semaphore, #tpu.memory_space<semaphore_mem>>
        %dma_start3A_93 = arith.constant 0 : i32
        %dma_start3A_94 = arith.constant 0 : i32
        %dma_start3A_95 = tpu.memref_slice %arg6[%rem3A_68, %dma_start3A_93, %dma_start3A_94] : memref<5x128x128xf32, #tpu.memory_space<vmem>> -> memref<1x56x128xf32, #tpu.memory_space<vmem>>
        %dma_start3A_96 = tpu.memref_squeeze %dma_start3A_95 : memref<1x56x128xf32, #tpu.memory_space<vmem>> -> memref<56x128xf32, #tpu.memory_space<vmem>>
        %dma_start3A_97 = arith.constant 0 : i32
        %dma_start3A_98 = arith.constant 0 : i32
        %dma_start3A_99 = tpu.memref_slice %arg4[%add3A_87, %dma_start3A_97, %dma_start3A_98] : memref<16384x56x128xf32, #tpu.memory_space<hbm>> -> memref<1x56x128xf32, #tpu.memory_space<hbm>>
        %dma_start3A_100 = tpu.memref_squeeze %dma_start3A_99 : memref<1x56x128xf32, #tpu.memory_space<hbm>> -> memref<56x128xf32, #tpu.memory_space<hbm>>
        %dma_start3A_101 = arith.constant 0 : i32
        %dma_start3A_102 = arith.constant 0 : i32
        %dma_start3A_103 = tpu.memref_slice %arg4[%add3A_87, %dma_start3A_101, %dma_start3A_102] : memref<16384x56x128xf32, #tpu.memory_space<hbm>> -> memref<1x56x128xf32, #tpu.memory_space<hbm>>
        %dma_start3A_104 = tpu.memref_squeeze %dma_start3A_103 : memref<1x56x128xf32, #tpu.memory_space<hbm>> -> memref<56x128xf32, #tpu.memory_space<hbm>>
        %dma_start3A_105 = arith.constant 0 : i32
        %dma_start3A_106 = arith.constant 0 : i32
        %dma_start3A_107 = tpu.memref_slice %arg6[%rem3A_68, %dma_start3A_105, %dma_start3A_106] : memref<5x128x128xf32, #tpu.memory_space<vmem>> -> memref<1x56x128xf32, #tpu.memory_space<vmem>>
        %dma_start3A_108 = tpu.memref_squeeze %dma_start3A_107 : memref<1x56x128xf32, #tpu.memory_space<vmem>> -> memref<56x128xf32, #tpu.memory_space<vmem>>
        tpu.enqueue_dma source(%dma_start3A_108 : memref<56x128xf32, #tpu.memory_space<vmem>>) target(%dma_start3A_104 : memref<56x128xf32, #tpu.memory_space<hbm>>) target_semaphore(%run_scoped3A : memref<!tpu.dma_semaphore, #tpu.memory_space<semaphore_mem>>)
        %dma_wait3A_109 = arith.constant 0 : i32
        %dma_wait3A_110 = arith.constant 0 : i32
        %dma_wait3A_111 = tpu.memref_slice %arg6[%rem3A_68, %dma_wait3A_109, %dma_wait3A_110] : memref<5x128x128xf32, #tpu.memory_space<vmem>> -> memref<1x56x128xf32, #tpu.memory_space<vmem>>
        %dma_wait3A_112 = tpu.memref_squeeze %dma_wait3A_111 : memref<1x56x128xf32, #tpu.memory_space<vmem>> -> memref<56x128xf32, #tpu.memory_space<vmem>>
        %dma_wait3A_113 = arith.constant 0 : i32
        %dma_wait3A_114 = arith.constant 0 : i32
        %dma_wait3A_115 = tpu.memref_slice %arg4[%add3A_87, %dma_wait3A_113, %dma_wait3A_114] : memref<16384x56x128xf32, #tpu.memory_space<hbm>> -> memref<1x56x128xf32, #tpu.memory_space<hbm>>
        %dma_wait3A_116 = tpu.memref_squeeze %dma_wait3A_115 : memref<1x56x128xf32, #tpu.memory_space<hbm>> -> memref<56x128xf32, #tpu.memory_space<hbm>>
        %dma_wait3A_117 = arith.constant 0 : i32
        %dma_wait3A_118 = arith.constant 0 : i32
        %dma_wait3A_119 = tpu.memref_slice %arg4[%add3A_87, %dma_wait3A_117, %dma_wait3A_118] : memref<16384x56x128xf32, #tpu.memory_space<hbm>> -> memref<1x56x128xf32, #tpu.memory_space<hbm>>
        %dma_wait3A_120 = tpu.memref_squeeze %dma_wait3A_119 : memref<1x56x128xf32, #tpu.memory_space<hbm>> -> memref<56x128xf32, #tpu.memory_space<hbm>>
        %dma_wait3A_121 = arith.constant 0 : i32
        %dma_wait3A_122 = arith.constant 0 : i32
        %dma_wait3A_123 = tpu.memref_slice %arg6[%rem3A_68, %dma_wait3A_121, %dma_wait3A_122] : memref<5x128x128xf32, #tpu.memory_space<vmem>> -> memref<1x56x128xf32, #tpu.memory_space<vmem>>
        %dma_wait3A_124 = tpu.memref_squeeze %dma_wait3A_123 : memref<1x56x128xf32, #tpu.memory_space<vmem>> -> memref<56x128xf32, #tpu.memory_space<vmem>>
        tpu.wait_dma2 semaphore(%run_scoped3A : memref<!tpu.dma_semaphore, #tpu.memory_space<semaphore_mem>>) src(%dma_wait3A_124 : memref<56x128xf32, #tpu.memory_space<vmem>>) dst(%dma_wait3A_120 : memref<56x128xf32, #tpu.memory_space<hbm>>)
        tpu.yield
      }) : () -> ()
      %mul3A_88 = arith.constant 2 : i32
      %mul3A_89 = arith.muli %mul3A_88, %scan3A_67 : i32
      %add3A_90 = arith.addi %mul3A_2, %mul3A_89 : i32
      %add3A_91 = arith.constant 1 : i32
      %add3A_92 = arith.addi %add3A_90, %add3A_91 : i32
      "tpu.region"() ({
        %run_scoped3A = tpu.sem_alloc : memref<!tpu.dma_semaphore, #tpu.memory_space<semaphore_mem>>
        %dma_start3A_93 = arith.constant 64 : i32
        %dma_start3A_94 = arith.constant 0 : i32
        %dma_start3A_95 = tpu.memref_slice %arg6[%rem3A_68, %dma_start3A_93, %dma_start3A_94] : memref<5x128x128xf32, #tpu.memory_space<vmem>> -> memref<1x56x128xf32, #tpu.memory_space<vmem>>
        %dma_start3A_96 = tpu.memref_squeeze %dma_start3A_95 : memref<1x56x128xf32, #tpu.memory_space<vmem>> -> memref<56x128xf32, #tpu.memory_space<vmem>>
        %dma_start3A_97 = arith.constant 0 : i32
        %dma_start3A_98 = arith.constant 0 : i32
        %dma_start3A_99 = tpu.memref_slice %arg4[%add3A_92, %dma_start3A_97, %dma_start3A_98] : memref<16384x56x128xf32, #tpu.memory_space<hbm>> -> memref<1x56x128xf32, #tpu.memory_space<hbm>>
        %dma_start3A_100 = tpu.memref_squeeze %dma_start3A_99 : memref<1x56x128xf32, #tpu.memory_space<hbm>> -> memref<56x128xf32, #tpu.memory_space<hbm>>
        %dma_start3A_101 = arith.constant 0 : i32
        %dma_start3A_102 = arith.constant 0 : i32
        %dma_start3A_103 = tpu.memref_slice %arg4[%add3A_92, %dma_start3A_101, %dma_start3A_102] : memref<16384x56x128xf32, #tpu.memory_space<hbm>> -> memref<1x56x128xf32, #tpu.memory_space<hbm>>
        %dma_start3A_104 = tpu.memref_squeeze %dma_start3A_103 : memref<1x56x128xf32, #tpu.memory_space<hbm>> -> memref<56x128xf32, #tpu.memory_space<hbm>>
        %dma_start3A_105 = arith.constant 64 : i32
        %dma_start3A_106 = arith.constant 0 : i32
        %dma_start3A_107 = tpu.memref_slice %arg6[%rem3A_68, %dma_start3A_105, %dma_start3A_106] : memref<5x128x128xf32, #tpu.memory_space<vmem>> -> memref<1x56x128xf32, #tpu.memory_space<vmem>>
        %dma_start3A_108 = tpu.memref_squeeze %dma_start3A_107 : memref<1x56x128xf32, #tpu.memory_space<vmem>> -> memref<56x128xf32, #tpu.memory_space<vmem>>
        tpu.enqueue_dma source(%dma_start3A_108 : memref<56x128xf32, #tpu.memory_space<vmem>>) target(%dma_start3A_104 : memref<56x128xf32, #tpu.memory_space<hbm>>) target_semaphore(%run_scoped3A : memref<!tpu.dma_semaphore, #tpu.memory_space<semaphore_mem>>)
        %dma_wait3A_109 = arith.constant 64 : i32
        %dma_wait3A_110 = arith.constant 0 : i32
        %dma_wait3A_111 = tpu.memref_slice %arg6[%rem3A_68, %dma_wait3A_109, %dma_wait3A_110] : memref<5x128x128xf32, #tpu.memory_space<vmem>> -> memref<1x56x128xf32, #tpu.memory_space<vmem>>
        %dma_wait3A_112 = tpu.memref_squeeze %dma_wait3A_111 : memref<1x56x128xf32, #tpu.memory_space<vmem>> -> memref<56x128xf32, #tpu.memory_space<vmem>>
        %dma_wait3A_113 = arith.constant 0 : i32
        %dma_wait3A_114 = arith.constant 0 : i32
        %dma_wait3A_115 = tpu.memref_slice %arg4[%add3A_92, %dma_wait3A_113, %dma_wait3A_114] : memref<16384x56x128xf32, #tpu.memory_space<hbm>> -> memref<1x56x128xf32, #tpu.memory_space<hbm>>
        %dma_wait3A_116 = tpu.memref_squeeze %dma_wait3A_115 : memref<1x56x128xf32, #tpu.memory_space<hbm>> -> memref<56x128xf32, #tpu.memory_space<hbm>>
        %dma_wait3A_117 = arith.constant 0 : i32
        %dma_wait3A_118 = arith.constant 0 : i32
        %dma_wait3A_119 = tpu.memref_slice %arg4[%add3A_92, %dma_wait3A_117, %dma_wait3A_118] : memref<16384x56x128xf32, #tpu.memory_space<hbm>> -> memref<1x56x128xf32, #tpu.memory_space<hbm>>
        %dma_wait3A_120 = tpu.memref_squeeze %dma_wait3A_119 : memref<1x56x128xf32, #tpu.memory_space<hbm>> -> memref<56x128xf32, #tpu.memory_space<hbm>>
        %dma_wait3A_121 = arith.constant 64 : i32
        %dma_wait3A_122 = arith.constant 0 : i32
        %dma_wait3A_123 = tpu.memref_slice %arg6[%rem3A_68, %dma_wait3A_121, %dma_wait3A_122] : memref<5x128x128xf32, #tpu.memory_space<vmem>> -> memref<1x56x128xf32, #tpu.memory_space<vmem>>
        %dma_wait3A_124 = tpu.memref_squeeze %dma_wait3A_123 : memref<1x56x128xf32, #tpu.memory_space<vmem>> -> memref<56x128xf32, #tpu.memory_space<vmem>>
        tpu.wait_dma2 semaphore(%run_scoped3A : memref<!tpu.dma_semaphore, #tpu.memory_space<semaphore_mem>>) src(%dma_wait3A_124 : memref<56x128xf32, #tpu.memory_space<vmem>>) dst(%dma_wait3A_120 : memref<56x128xf32, #tpu.memory_space<hbm>>)
        tpu.yield
      }) : () -> ()
    }
    %scan3A_66 = arith.constant 256 : i32
    return
  }
}

</mosaic_0001>

<sc_bundles>
// kernel: kernel.4.cloned.1.call-start
scs
__scs_entry_jumppad:
0x0: {  	(pc) =	sbr.rel $0x88, $3  }
0x1: {  	(tag) =	ssettag $0x0;
	lr =	simm.s32 $0x1  }
0x2: {  	[smem:$0x3F9F] =	sst lr;
	_ =	strace $0xD0000000  }
0x3: {  	_ = 	snop  }
0x4: {  	_ = 	snop  }
0x5: {  	_ = 	snop  }
0x6: {  	_ = 	snop  }
0x7: {  	_ = 	snop  }
__scs_overlays_trampoline_lowered:
0x8: {  	[smem:$0x3FAE] =	sst s0  }
0x9: {  	[smem:$0x3FAF] =	sst s1  }
0xa: {  	[smem:$0x3FB0] =	sst s2  }
0xb: {  	[smem:$0x3FB1] =	sst s3  }
0xc: {  	[smem:$0x3FB2] =	sst s4  }
0xd: {  	[smem:$0x3FB3] =	sst s5  }
0xe: {  	[smem:$0x3FB4] =	sst s6  }
0xf: {  	[smem:$0x3FB5] =	sst s7  }
0x10: {  	[smem:$0x3FB6] =	sst s8  }
0x11: {  	[smem:$0x3FB7] =	sst s9;
	s0 =	simm.s32 @!p0 $0x0  }
0x12: {  	s1 =	sld [smem:$0x3F9D];
	s0 =	simm.s32 @p0 $0x1  }
0x13: {  	[smem:$0x3FB8] =	sst s0;
	s0 =	simm.s32 @!p1 $0x0  }
0x14: {  	s2 =	sld [smem:$0x3F9C];
	s0 =	simm.s32 @p1 $0x1  }
0x15: {  	[smem:$0x3FB9] =	sst s0;
	s0 =	simm.s32 @!p2 $0x0  }
0x16: {  	s3 =	sld [smem:$0x3FDB];
	s0 =	simm.s32 @p2 $0x1  }
0x17: {  	s4 =	simm.s32 $0x1BF5;
	[smem:$0x3FBB] =	sst s0  }
0x18: {  	s0 =	sld [smem:$0x3F9E];
	_ =	swait.ge [sflag:s4], $0x0  }
0x19: {  	s7 =	sld [smem:$0x3F9F]  }
0x1a: {  	s8 =	sadd.s32 $0xFFFFE003, lr  }
0x1b: {  	s9 =	sadd.s32 $0xFFFFFEF7, lr;
	s5 =	simm.s32 $0xFFFFFFFF;
	p2 =	slt.u32 s8, $0xFFFFF086  }
0x1c: {  	p1 =	slt.u32 s9, $0xF7A;
	s5 =	simm.s32 @!p2 $0x0  }
0x1d: {  	s5 =	simm.s32 @p1 $0x1;
	p0 =	seq.s32 s7, s2  }
0x1e: {  	s7 =	smul.u32 @!p0 $0xF7A, s2;
	p2 =	seq.s32 @!p0 s5, $0x0  }
0x1f: {  	s9 =	smul.u32 $0xF7A, s1;
	s8 =	simm.s32 @!p0 $0x1BF5;
	p2 =	por !p2, p0  }
0x20: {  	[sflag:s8] =	ssyncset.s32 @!p0 $0xFFFFF086;
	s6 =	sadd.s32 @!p0 s3, s7;
	s7 =	simm.s32 @!p0 $0x108  }
0x21: {  	s3 =	sadd.s32 s3, s9;
	s6 =	sadd.s32 @!p0 $0x88, s6;
	s7 =	simm.s32 @p2 $0x1082  }
0x22: {  	[simem:s7], [sflag:s8] =	dma.local @!p0 [hbm:s6], $0xF7A  }
0x23: {  	s9 =	sor.u32 $0xD0000000, s2;
	s6 =	simm.s32 $0x108;
	_ =	swait.ge @!p0 [sflag:s8], $0x0  }
0x24: {  	s3 =	sadd.s32 $0x88, s3;
	s6 =	simm.s32 @!p1 $0x1082;
	[sflag:s4] =	ssyncset.s32 $0xFFFFF086  }
0x25: {  	[simem:s6], [sflag:s4] =	dma.local [hbm:s3], $0xF7A  }
0x26: {  	[smem:$0x3F9F] =	sst s1;
	(tag) =	ssettag s2;
	_ =	strace s9  }
0x27: {  	s1 =	sld [smem:$0x3FAF]  }
0x28: {  	s2 =	sld [smem:$0x3FB0]  }
0x29: {  	s4 =	sld [smem:$0x3FB2]  }
0x2a: {  	p0 =	seq.s32 s5, $0x0;
	s5 =	sld [smem:$0x3FB3]  }
0x2b: {  	s6 =	sld [smem:$0x3FB4]  }
0x2c: {  	s7 =	sld [smem:$0x3FB5]  }
0x2d: {  	s3 =	simm.s32 $0x108;
	s8 =	sld [smem:$0x3FB6]  }
0x2e: {  	s3 =	simm.s32 @!p0 $0x1082;
	s9 =	sld [smem:$0x3FB7]  }
0x2f: {  	lr =	sadd.s32 s0, s3;
	s0 =	sld [smem:$0x3FAE]  }
0x30: {  	s3 =	sld [smem:$0x3FB1]  }
0x31: {  	[smem:$0x3FBA] =	sst s10  }
0x32: {  	s10 =	sld [smem:$0x3FB8];
	_ =	sdelay $0x3  }
0x33: {  	p0 =	seq.s32 s10, $0x1;
	s10 =	sld [smem:$0x3FBA];
	_ =	sdelay $0x3  }
0x34: {  	[smem:$0x3FBA] =	sst s10  }
0x35: {  	s10 =	sld [smem:$0x3FB9];
	_ =	sdelay $0x3  }
0x36: {  	p1 =	seq.s32 s10, $0x1;
	s10 =	sld [smem:$0x3FBA];
	_ =	sdelay $0x3  }
0x37: {  	[smem:$0x3FBA] =	sst s10  }
0x38: {  	s10 =	sld [smem:$0x3FBB]  }
0x39: {  	_ = 	snop;
	(pc) =	sbr.ind lr, $3  }
0x3a: {  	_ = 	snop  }
0x3b: {  	_ = 	snop  }
0x3c: {  	p2 =	seq.s32 s10, $0x1;
	s10 =	sld [smem:$0x3FBA]  }
0x3d: {  	_ =	shalt  }
0x3e: {  	_ =	shalt  }
0x3f: {  	_ =	shalt  }
0x40: {  	_ =	shalt  }
0x41: {  	_ =	shalt  }
0x42: {  	_ =	shalt  }
0x43: {  	_ =	shalt  }
0x44: {  	_ =	shalt  }
0x45: {  	_ =	shalt  }
0x46: {  	_ =	shalt  }
0x47: {  	_ =	shalt  }
0x48: {  	_ =	shalt  }
0x49: {  	_ =	shalt  }
0x4a: {  	_ =	shalt  }
0x4b: {  	_ =	shalt  }
0x4c: {  	_ =	shalt  }
0x4d: {  	_ =	shalt  }
0x4e: {  	_ =	shalt  }
0x4f: {  	_ =	shalt  }
0x50: {  	_ =	shalt  }
0x51: {  	_ =	shalt  }
0x52: {  	_ =	shalt  }
0x53: {  	_ =	shalt  }
0x54: {  	_ =	shalt  }
0x55: {  	_ =	shalt  }
0x56: {  	_ =	shalt  }
0x57: {  	_ =	shalt  }
0x58: {  	_ =	shalt  }
0x59: {  	_ =	shalt  }
0x5a: {  	_ =	shalt  }
0x5b: {  	_ =	shalt  }
0x5c: {  	_ =	shalt  }
0x5d: {  	_ =	shalt  }
0x5e: {  	_ =	shalt  }
0x5f: {  	_ =	shalt  }
0x60: {  	_ =	shalt  }
0x61: {  	_ =	shalt  }
0x62: {  	_ =	shalt  }
0x63: {  	_ =	shalt  }
0x64: {  	_ =	shalt  }
0x65: {  	_ =	shalt  }
0x66: {  	_ =	shalt  }
0x67: {  	_ =	shalt  }
0x68: {  	_ =	shalt  }
0x69: {  	_ =	shalt  }
0x6a: {  	_ =	shalt  }
0x6b: {  	_ =	shalt  }
0x6c: {  	_ =	shalt  }
0x6d: {  	_ =	shalt  }
0x6e: {  	_ =	shalt  }
0x6f: {  	_ =	shalt  }
0x70: {  	_ =	shalt  }
0x71: {  	_ =	shalt  }
0x72: {  	_ =	shalt  }
0x73: {  	_ =	shalt  }
0x74: {  	_ =	shalt  }
0x75: {  	_ =	shalt  }
0x76: {  	_ =	shalt  }
0x77: {  	_ =	shalt  }
0x78: {  	_ =	shalt  }
0x79: {  	_ =	shalt  }
0x7a: {  	_ =	shalt  }
0x7b: {  	_ =	shalt  }
0x7c: {  	_ =	shalt  }
0x7d: {  	_ =	shalt  }
0x7e: {  	_ =	shalt  }
0x7f: {  	_ =	shalt  }
0x80: {  	_ =	shalt  }
0x81: {  	_ =	shalt  }
0x82: {  	_ =	shalt  }
0x83: {  	_ =	shalt  }
0x84: {  	_ =	shalt  }
0x85: {  	_ =	shalt  }
0x86: {  	_ =	shalt  }
0x87: {  	_ =	shalt  }
.Lfunc_end0:
.L_simem_size_0:
called_computation.1_lowered:
.L_overlay_start_0:
0x88: {  	s2 =	sld [smem:$0x3FD9]  }
0x89: {  	s3 =	sld [smem:$0x3FFE];
	_ =	sdelay $0x1  }
0x8a: {  	s1 =	srdreg.scid  }
0x8b: {  	s0 =	sand.u32 $0x1, s1  }
0x8c: {  	s17 =	sshll.u32 s0, $0xA;
	s2 =	sadd.s32 s3, s2  }
0x8d: {  	s2 =	sadd.s32 s2, s17  }
0x8e: {  	[smem:$0x3FC6] =	sst s2  }
0x8f: {  	_ = 	snop  }
0x90: {  	s2 =	sld [smem:$0x3FD0];
	(tm) =	ssettm $0x1  }
0x91: {  	s18 =	sld [smem:$0x3FFB];
	_ =	sdelay $0x3  }
0x92: {  	_ =	strace s18  }
0x93: {  	s3 =	sld [smem:$0x3FFC];
	_ =	sdelay $0x3  }
0x94: {  	_ =	strace s3  }
0x95: {  	s3 =	sld [smem:$0x3FFD];
	_ =	sdelay $0x3  }
0x96: {  	_ =	strace s3  }
0x97: {  	_ =	strace $0x8FFFFFFF  }
0x98: {  	s19 =	sld [smem:$0x3FDB];
	_ =	sdelay $0x1  }
0x99: {  	s4 =	simm.s32 $_scs_section_size  }
0x9a: {  	s5 =	simm.s32 $_size__tile_overlayer_lowered;
	s6 =	simm.s32 $_tile_overlayer_lowered  }
0x9b: {  	s22 =	simm.s32 $0x1BFF;
	s21 =	sshll.u32 s6, $0x1;
	s3 =	sadd.s32 s4, s19  }
0x9c: {  	s7 =	simm.s32 $0x0;
	s20 =	sshll.u32 s5, $0x1;
	s5 =	sadd.s32 s21, s3  }
0x9d: {  	[timem:s7], [sflag:s22] =	dma.local [hbm:s5], s20  }
0x9e: {  	_ =	swait.ge [sflag:s22], s20  }
0x9f: {  	s4 =	ssub.s32 $0x0, s20;
	[sflag:s22] =	ssyncset.done $0x0  }
0xa0: {  	[sflag:s22] =	ssyncadd.s32 s4;
	_ =	sdelay $0x1  }
0xa1: {  	s23 =	simm.s32 $0x1B8B  }
0xa2: {  	_ =	swait.ge [sflag:s23], $0x1  }
0xa3: {  	[sflag:s23] =	ssyncset.done $0x0  }
0xa4: {  	s25 =	simm.s32 $0x1B8E;
	s24 =	sld [smem:$0x3FFE];
	[sflag:s23] =	ssyncadd.s32 $0xFFFFFFFF  }
0xa5: {  	s26 =	simm.s32 $execute0_lowered;
	[smem:$0x3FD2] =	sst s25  }
0xa6: {  	s5 =	sshll.u32 s26, $0x1;
	_ =	strace $0x80000046;
	[dreg:$0x1] =	wrdreg $0xFFFFFFFF  }
0xa7: {  	s28 =	simm.s32 $_size_execute0_lowered;
	s3 =	sadd.s32 s3, s5;
	[dreg:$0x0] =	wrdreg $0x0  }
0xa8: {  	s5 =	sshll.u32 s28, $0x1;
	[dreg:$0x2] =	wrdreg s3  }
0xa9: {  	[dreg:$0x3] =	wrdreg s5  }
0xaa: {  	[dreg:$0x4] =	wrdreg $0xC0  }
0xab: {  	_ =	task [dreg:s7], $0x5FFFF  }
0xac: {  	[dreg:$0x1] =	wrdreg $0xFFFFFFFF  }
0xad: {  	[dreg:$0x0] =	wrdreg $0x60  }
0xae: {  	[dreg:$0x2] =	wrdreg s2  }
0xaf: {  	[dreg:$0x3] =	wrdreg s24  }
0xb0: {  	[dreg:$0x4] =	wrdreg $0x9  }
0xb1: {  	_ =	task.clear_ibuf [dreg:s7], $0x5FFFF;
	_ =	strace $0x90000046  }
0xb2: {  	s29 =	simm.s32 $0x9;
	_ =	strace $0x80000048  }
0xb3: {  	_ =	swait.ge [sflag:s29], $0x1  }
0xb4: {  	[sflag:s29] =	ssyncadd.s32 $0xFFFFFFFF  }
0xb5: {  	_ =	strace $0x90000048  }
0xb6: {  	_ =	sfence  }
0xb7: {  	s30 =	sld [smem:$0x0];
	_ =	sdelay $0x2  }
0xb8: {  	s31 =	sshll.u32 s1, $0xD;
	s1 =	sshrl.u32 s1, $0x2  }
0xb9: {  	s3 =	sand.u32 $0x4000, s31;
	s1 =	sadd.s32 s1, s30  }
0xba: {  	s0 =	sor.u32 s3, s0;
	s1 =	sshll.u32 s1, $0x11  }
0xbb: {  	s0 =	sor.u32 s1, s0  }
0xbc: {  	s0 =	sadd.s32 $0x8F2B, s0  }
0xbd: {  	[sflag:s0] =	ssyncadd.remote.s32 $0x1  }
0xbe: {  	_ =	sfence.sel $0xFFFF  }
0xbf: {  	[dreg:$0x0] =	wrdreg $0xFFFFFFFF;
	(pc) =	sbr.abs _section_cstart, $3  }
0xc0: {  	[dreg:$0x1] =	wrdreg $0xFFFFFFFF  }
0xc1: {  	_ =	task.clear_ibuf [dreg:s7], $0x2FFFF;
	_ =	strace $0x9FFFFFFF  }
0xc2: {  	(tm) =	ssettm $0x7FFFFFFF  }
0xc3: {  	_ =	shalt  }
tec
execute0_lowered:
.L_overlay_start_1:
0x0: {  	(tag) =	ssettag $0x1  }
0x1: {  	s3 =	rddreg [dreg:$0x0];
	s0 =	srdreg.scid  }
0x2: {  	s4 =	rddreg [dreg:$0x1];
	s1 =	stileid.u32  }
0x3: {  	s2 =	simm.s32 $0x0;
	s5 =	sand.u32 $0x1, s0;
	s0 =	rddreg [dreg:$0x2]  }
0x4: {  	s7 =	sshll.u32 s1, $0xD;
	[smem:$0x7FF] =	sst s2;
	s30 =	sshll.u32 s1, $0xE  }
0x5: {  	s6 =	ssub.s32 $0x2, s5;
	s4 =	sadd.s32 s7, s4;
	s31 =	sshll.u32 s5, $0xD  }
0x6: {  	s5 =	sshll.u32 s5, $0xC;
	_ =	strace $0x80000047;
	s8 =	sshrl.u32 s6, $0x1  }
0x7: {  	s7 =	sor.u32 s31, s30;
	s5 =	sadd.s32 s5, s4;
	s6 =	ssub.s32 s6, s8  }
0x8: {  	s3 =	sadd.s32 s3, s7;
	s5 =	sadd.s32 $0xC00, s5;
	s7 =	simm.s32 $0x1  }
0x9: {  	s8 =	simm.s32 $0x0;
	s4 =	smax.u32 s6, $0x1;
	s6 =	simm.s32 $0x2  }
.LBB2_1:
0xa: {  	[tilespmem:s2], [sflag:$0x2] =	stream.linear.gather [hbm4b:s3+s2], $0x10000, $0x38;
	[tilespmem:$0x18000] =	vst v63  }
0xb: {  	_ =	swait.ge [sflag:s6], $0x10000  }
0xc: {  	[sflag:s6] =	ssyncset.done $0x0  }
0xd: {  	s11 =	simm.s32 $0x0;
	[sflag:s6] =	ssyncadd.s32 $0xFFFF0000  }
0xe: {  	v0 =	vld [tilespmem:s11+$0x0];
	_ =	sdelay $0x3  }
0xf: {  	s9 =	simm.s32 $0x10020  }
0x10: {  	[tilespmem:s9+$0x10] =	vst v0  }
0x11: {  	[tilespmem:s9+$0xFFFFFFE0] =	vst v0  }
0x12: {  	v0 =	vld [tilespmem:s11+$0x10];
	_ =	sdelay $0x4  }
0x13: {  	[tilespmem:s9+$0xFFFFFFF0] =	vst v0  }
0x14: {  	v0 =	vld [tilespmem:s11+$0x20];
	_ =	sdelay $0x4  }
0x15: {  	[tilespmem:s9+$0x0] =	vst v0  }
0x16: {  	s10 =	simm.s32 $0x200;
	v0 =	vld [tilespmem:s11+$0x22];
	s11 =	simm.s32 $0x10020  }
.LBB2_2:
0x17: {  	_ =	sdelay $0x1  }
0x18: {  	p0 =	sne.s32 s10, $0x3FE00  }
0x19: {  	s9 =	sadd.s32 $0x40, s9;
	s12 =	smov.u32 s10;
	s10 =	sadd.s32 $0x200, s10  }
0x1a: {  	s12 =	sshra.s32 s12, $0x2;
	[tilespmem:s11+$0x2] =	vst v0;
	s11 =	smov.u32 s9  }
0x1b: {  	v0 =	vld [tilespmem:s12+$0x0];
	_ =	sdelay $0x4  }
0x1c: {  	[tilespmem:s9+$0x10] =	vst v0  }
0x1d: {  	[tilespmem:s9+$0xFFFFFFE0] =	vst v0  }
0x1e: {  	v0 =	vld [tilespmem:s12+$0x10];
	_ =	sdelay $0x4  }
0x1f: {  	[tilespmem:s9+$0xFFFFFFF0] =	vst v0  }
0x20: {  	v0 =	vld [tilespmem:s12+$0x20];
	_ =	sdelay $0x1  }
.Ltmp0:
0x21: {  	(pc) =	sbr.rel @p0 .LBB2_2-.Ltmp0, $3  }
0x22: {  	_ =	sdelay $0x1  }
0x23: {  	[tilespmem:s9+$0x0] =	vst v0  }
0x24: {  	v0 =	vld [tilespmem:s12+$0x22]  }
0x25: {  	_ =	sdelay $0x3  }
0x26: {  	s9 =	simm.s32 $0x0;
	s10 =	simm.s32 $0x10000;
	[tilespmem:s11+$0x2] =	vst v0  }
.LBB2_4:
0x27: {  	p0 =	sne.s32 s9, $0xFF0  }
.Ltmp1:
0x28: {  	_ = 	snop;
	(pc) =	sbr.rel @p0 .LBB2_4-.Ltmp1, $4  }
0x29: {  	_ = 	snop  }
0x2a: {  	s11 =	sadd.s32 s9, s5  }
0x2b: {  	[hbm4b:s11+s2] =	stream.linear.scatter [tilespmem:s10], [sflag:$0x1], $0x80, $0x38;
	[tilespmem:$0x18000] =	vst v63  }
0x2c: {  	s9 =	sadd.s32 $0x10, s9;
	s10 =	sadd.s32 $0x80, s10  }
0x2d: {  	_ =	swait.ge [sflag:s7], $0x80  }
0x2e: {  	s9 =	simm.s32 $0xFF;
	[sflag:s7] =	ssyncset.done $0x0  }
.LBB2_6:
0x2f: {  	p0 =	sne.s32 s9, $0x1;
	s9 =	sadd.s32 $0xFFFFFFFF, s9;
	[sflag:s7] =	ssyncadd.s32 $0xFFFFFF80  }
.Ltmp2:
0x30: {  	(pc) =	sbr.rel @p0 .LBB2_6-.Ltmp2, $3  }
0x31: {  	_ =	sdelay $0x1  }
0x32: {  	_ =	swait.ge [sflag:s7], $0x80  }
0x33: {  	[sflag:s7] =	ssyncset.done $0x0  }
0x34: {  	s8 =	sadd.s32 $0x1, s8  }
0x35: {  	p0 =	sne.s32 s8, s4  }
.Ltmp3:
0x36: {  	_ = 	snop;
	(pc) =	sbr.rel @p0 .LBB2_1-.Ltmp3, $2  }
0x37: {  	_ =	sdelay $0x2  }
0x38: {  	[sflag:s7] =	ssyncadd.s32 $0xFFFFFF80  }
0x39: {  	_ =	sfence.sel $0x180000  }
0x3a: {  	[bflag:$0x0] =	sbarrier.arrive $0xFFFF  }
0x3b: {  	p0 =	sne.s32 s1, $0x0;
	_ =	strace $0x90000047  }
0x3c: {  	s0 =	sadd.s32 @!p0 $0x100000, s0;
	[bflag:$0x2] =	sbarrier.arrive $0xFFFF  }
0x3d: {  	[sflag:s0] =	ssyncadd.tile.s32 @!p0 $0x1;
	_ =	shalt  }
.Lfunc_end2:
_tile_overlayer_lowered:
.L_overlay_start_2:
0x3e: {  	(tag) =	ssettag $0x2  }
0x3f: {  	s0 =	rddreg [dreg:$0x0];
	s2 =	stileid.u32  }
0x40: {  	s1 =	rddreg [dreg:$0x1];
	p0 =	sne.s32 s2, $0x0  }
0x41: {  	s3 =	rddreg [dreg:$0x2];
	[bflag:$0x3] =	sbarrier.arrive $0xFFFF;
	s2 =	simm.s32 @!p0 $0x1C02  }
0x42: {  	[timem:s3], [sflag:s2] =	dma.local @!p0 [hbm:s0], s1  }
0x43: {  	s0 =	simm.s32 @!p0 $0x2  }
0x44: {  	_ =	swait.ge @!p0 [sflag:s0], s1  }
0x45: {  	s1 =	ssub.s32 @!p0 $0x0, s1;
	[sflag:s0] =	ssyncset.done @!p0 $0x0  }
0x46: {  	[sflag:s0] =	ssyncadd.s32 @!p0 s1  }
0x47: {  	[bflag:$0x3] =	sbarrier.arrive $0xFFFF  }
0x48: {  	_ =	shalt  }

// kernel: kernel.7.cloned.1.call-start
scs
__scs_entry_jumppad:
0x0: {  	(pc) =	sbr.rel $0x88, $3  }
0x1: {  	(tag) =	ssettag $0x0;
	lr =	simm.s32 $0x1  }
0x2: {  	[smem:$0x3F9F] =	sst lr;
	_ =	strace $0xD0000000  }
0x3: {  	_ = 	snop  }
0x4: {  	_ = 	snop  }
0x5: {  	_ = 	snop  }
0x6: {  	_ = 	snop  }
0x7: {  	_ = 	snop  }
__scs_overlays_trampoline_lowered:
0x8: {  	[smem:$0x3FAE] =	sst s0  }
0x9: {  	[smem:$0x3FAF] =	sst s1  }
0xa: {  	[smem:$0x3FB0] =	sst s2  }
0xb: {  	[smem:$0x3FB1] =	sst s3  }
0xc: {  	[smem:$0x3FB2] =	sst s4  }
0xd: {  	[smem:$0x3FB3] =	sst s5  }
0xe: {  	[smem:$0x3FB4] =	sst s6  }
0xf: {  	[smem:$0x3FB5] =	sst s7  }
0x10: {  	[smem:$0x3FB6] =	sst s8  }
0x11: {  	[smem:$0x3FB7] =	sst s9;
	s0 =	simm.s32 @!p0 $0x0  }
0x12: {  	s1 =	sld [smem:$0x3F9D];
	s0 =	simm.s32 @p0 $0x1  }
0x13: {  	[smem:$0x3FB8] =	sst s0;
	s0 =	simm.s32 @!p1 $0x0  }
0x14: {  	s2 =	sld [smem:$0x3F9C];
	s0 =	simm.s32 @p1 $0x1  }
0x15: {  	[smem:$0x3FB9] =	sst s0;
	s0 =	simm.s32 @!p2 $0x0  }
0x16: {  	s3 =	sld [smem:$0x3FDB];
	s0 =	simm.s32 @p2 $0x1  }
0x17: {  	s4 =	simm.s32 $0x1BF5;
	[smem:$0x3FBB] =	sst s0  }
0x18: {  	s0 =	sld [smem:$0x3F9E];
	_ =	swait.ge [sflag:s4], $0x0  }
0x19: {  	s7 =	sld [smem:$0x3F9F]  }
0x1a: {  	s8 =	sadd.s32 $0xFFFFE003, lr  }
0x1b: {  	s9 =	sadd.s32 $0xFFFFFEF7, lr;
	s5 =	simm.s32 $0xFFFFFFFF;
	p2 =	slt.u32 s8, $0xFFFFF086  }
0x1c: {  	p1 =	slt.u32 s9, $0xF7A;
	s5 =	simm.s32 @!p2 $0x0  }
0x1d: {  	s5 =	simm.s32 @p1 $0x1;
	p0 =	seq.s32 s7, s2  }
0x1e: {  	s7 =	smul.u32 @!p0 $0xF7A, s2;
	p2 =	seq.s32 @!p0 s5, $0x0  }
0x1f: {  	s9 =	smul.u32 $0xF7A, s1;
	s8 =	simm.s32 @!p0 $0x1BF5;
	p2 =	por !p2, p0  }
0x20: {  	[sflag:s8] =	ssyncset.s32 @!p0 $0xFFFFF086;
	s6 =	sadd.s32 @!p0 s3, s7;
	s7 =	simm.s32 @!p0 $0x108  }
0x21: {  	s3 =	sadd.s32 s3, s9;
	s6 =	sadd.s32 @!p0 $0x88, s6;
	s7 =	simm.s32 @p2 $0x1082  }
0x22: {  	[simem:s7], [sflag:s8] =	dma.local @!p0 [hbm:s6], $0xF7A  }
0x23: {  	s9 =	sor.u32 $0xD0000000, s2;
	s6 =	simm.s32 $0x108;
	_ =	swait.ge @!p0 [sflag:s8], $0x0  }
0x24: {  	s3 =	sadd.s32 $0x88, s3;
	s6 =	simm.s32 @!p1 $0x1082;
	[sflag:s4] =	ssyncset.s32 $0xFFFFF086  }
0x25: {  	[simem:s6], [sflag:s4] =	dma.local [hbm:s3], $0xF7A  }
0x26: {  	[smem:$0x3F9F] =	sst s1;
	(tag) =	ssettag s2;
	_ =	strace s9  }
0x27: {  	s1 =	sld [smem:$0x3FAF]  }
0x28: {  	s2 =	sld [smem:$0x3FB0]  }
0x29: {  	s4 =	sld [smem:$0x3FB2]  }
0x2a: {  	p0 =	seq.s32 s5, $0x0;
	s5 =	sld [smem:$0x3FB3]  }
0x2b: {  	s6 =	sld [smem:$0x3FB4]  }
0x2c: {  	s7 =	sld [smem:$0x3FB5]  }
0x2d: {  	s3 =	simm.s32 $0x108;
	s8 =	sld [smem:$0x3FB6]  }
0x2e: {  	s3 =	simm.s32 @!p0 $0x1082;
	s9 =	sld [smem:$0x3FB7]  }
0x2f: {  	lr =	sadd.s32 s0, s3;
	s0 =	sld [smem:$0x3FAE]  }
0x30: {  	s3 =	sld [smem:$0x3FB1]  }
0x31: {  	[smem:$0x3FBA] =	sst s10  }
0x32: {  	s10 =	sld [smem:$0x3FB8];
	_ =	sdelay $0x3  }
0x33: {  	p0 =	seq.s32 s10, $0x1;
	s10 =	sld [smem:$0x3FBA];
	_ =	sdelay $0x3  }
0x34: {  	[smem:$0x3FBA] =	sst s10  }
0x35: {  	s10 =	sld [smem:$0x3FB9];
	_ =	sdelay $0x3  }
0x36: {  	p1 =	seq.s32 s10, $0x1;
	s10 =	sld [smem:$0x3FBA];
	_ =	sdelay $0x3  }
0x37: {  	[smem:$0x3FBA] =	sst s10  }
0x38: {  	s10 =	sld [smem:$0x3FBB]  }
0x39: {  	_ = 	snop;
	(pc) =	sbr.ind lr, $3  }
0x3a: {  	_ = 	snop  }
0x3b: {  	_ = 	snop  }
0x3c: {  	p2 =	seq.s32 s10, $0x1;
	s10 =	sld [smem:$0x3FBA]  }
0x3d: {  	_ =	shalt  }
0x3e: {  	_ =	shalt  }
0x3f: {  	_ =	shalt  }
0x40: {  	_ =	shalt  }
0x41: {  	_ =	shalt  }
0x42: {  	_ =	shalt  }
0x43: {  	_ =	shalt  }
0x44: {  	_ =	shalt  }
0x45: {  	_ =	shalt  }
0x46: {  	_ =	shalt  }
0x47: {  	_ =	shalt  }
0x48: {  	_ =	shalt  }
0x49: {  	_ =	shalt  }
0x4a: {  	_ =	shalt  }
0x4b: {  	_ =	shalt  }
0x4c: {  	_ =	shalt  }
0x4d: {  	_ =	shalt  }
0x4e: {  	_ =	shalt  }
0x4f: {  	_ =	shalt  }
0x50: {  	_ =	shalt  }
0x51: {  	_ =	shalt  }
0x52: {  	_ =	shalt  }
0x53: {  	_ =	shalt  }
0x54: {  	_ =	shalt  }
0x55: {  	_ =	shalt  }
0x56: {  	_ =	shalt  }
0x57: {  	_ =	shalt  }
0x58: {  	_ =	shalt  }
0x59: {  	_ =	shalt  }
0x5a: {  	_ =	shalt  }
0x5b: {  	_ =	shalt  }
0x5c: {  	_ =	shalt  }
0x5d: {  	_ =	shalt  }
0x5e: {  	_ =	shalt  }
0x5f: {  	_ =	shalt  }
0x60: {  	_ =	shalt  }
0x61: {  	_ =	shalt  }
0x62: {  	_ =	shalt  }
0x63: {  	_ =	shalt  }
0x64: {  	_ =	shalt  }
0x65: {  	_ =	shalt  }
0x66: {  	_ =	shalt  }
0x67: {  	_ =	shalt  }
0x68: {  	_ =	shalt  }
0x69: {  	_ =	shalt  }
0x6a: {  	_ =	shalt  }
0x6b: {  	_ =	shalt  }
0x6c: {  	_ =	shalt  }
0x6d: {  	_ =	shalt  }
0x6e: {  	_ =	shalt  }
0x6f: {  	_ =	shalt  }
0x70: {  	_ =	shalt  }
0x71: {  	_ =	shalt  }
0x72: {  	_ =	shalt  }
0x73: {  	_ =	shalt  }
0x74: {  	_ =	shalt  }
0x75: {  	_ =	shalt  }
0x76: {  	_ =	shalt  }
0x77: {  	_ =	shalt  }
0x78: {  	_ =	shalt  }
0x79: {  	_ =	shalt  }
0x7a: {  	_ =	shalt  }
0x7b: {  	_ =	shalt  }
0x7c: {  	_ =	shalt  }
0x7d: {  	_ =	shalt  }
0x7e: {  	_ =	shalt  }
0x7f: {  	_ =	shalt  }
0x80: {  	_ =	shalt  }
0x81: {  	_ =	shalt  }
0x82: {  	_ =	shalt  }
0x83: {  	_ =	shalt  }
0x84: {  	_ =	shalt  }
0x85: {  	_ =	shalt  }
0x86: {  	_ =	shalt  }
0x87: {  	_ =	shalt  }
.Lfunc_end0:
.L_simem_size_0:
called_computation.2_lowered:
.L_overlay_start_0:
0x88: {  	s2 =	sld [smem:$0x3FD9]  }
0x89: {  	s3 =	sld [smem:$0x3FFE];
	_ =	sdelay $0x1  }
0x8a: {  	s1 =	srdreg.scid  }
0x8b: {  	s0 =	sand.u32 $0x1, s1  }
0x8c: {  	s16 =	sshll.u32 s0, $0xA;
	s2 =	sadd.s32 s3, s2  }
0x8d: {  	s2 =	sadd.s32 s2, s16  }
0x8e: {  	[smem:$0x3FC6] =	sst s2  }
0x8f: {  	_ = 	snop  }
0x90: {  	(tm) =	ssettm $0x1  }
0x91: {  	s17 =	sld [smem:$0x3FFB];
	_ =	sdelay $0x3  }
0x92: {  	_ =	strace s17  }
0x93: {  	s2 =	sld [smem:$0x3FFC];
	_ =	sdelay $0x3  }
0x94: {  	_ =	strace s2  }
0x95: {  	s2 =	sld [smem:$0x3FFD];
	_ =	sdelay $0x3  }
0x96: {  	_ =	strace s2  }
0x97: {  	_ =	strace $0x8FFFFFFF  }
0x98: {  	s18 =	sld [smem:$0x3FDB];
	_ =	sdelay $0x1  }
0x99: {  	s19 =	simm.s32 $_scs_section_size  }
0x9a: {  	s4 =	simm.s32 $_size__tile_overlayer_lowered;
	s5 =	simm.s32 $_tile_overlayer_lowered  }
0x9b: {  	s22 =	simm.s32 $0x1BFF;
	s21 =	sshll.u32 s5, $0x1;
	s2 =	sadd.s32 s19, s18  }
0x9c: {  	s6 =	simm.s32 $0x0;
	s20 =	sshll.u32 s4, $0x1;
	s4 =	sadd.s32 s21, s2  }
0x9d: {  	[timem:s6], [sflag:s22] =	dma.local [hbm:s4], s20  }
0x9e: {  	_ =	swait.ge [sflag:s22], s20  }
0x9f: {  	s3 =	ssub.s32 $0x0, s20;
	[sflag:s22] =	ssyncset.done $0x0  }
0xa0: {  	[sflag:s22] =	ssyncadd.s32 s3;
	_ =	sdelay $0x1  }
0xa1: {  	s23 =	simm.s32 $0x1B8B  }
0xa2: {  	_ =	swait.ge [sflag:s23], $0x1  }
0xa3: {  	[sflag:s23] =	ssyncset.done $0x0  }
0xa4: {  	s25 =	simm.s32 $0x1B8E;
	s24 =	sld [smem:$0x3FFE];
	[sflag:s23] =	ssyncadd.s32 $0xFFFFFFFF  }
0xa5: {  	s26 =	simm.s32 $execute0_lowered;
	[smem:$0x3FD2] =	sst s25  }
0xa6: {  	s4 =	sshll.u32 s26, $0x1;
	_ =	strace $0x80000049;
	[dreg:$0x1] =	wrdreg $0xFFFFFFFF  }
0xa7: {  	s28 =	simm.s32 $_size_execute0_lowered;
	s2 =	sadd.s32 s2, s4;
	[dreg:$0x0] =	wrdreg $0x0  }
0xa8: {  	s4 =	sshll.u32 s28, $0x1;
	[dreg:$0x2] =	wrdreg s2  }
0xa9: {  	[dreg:$0x3] =	wrdreg s4  }
0xaa: {  	[dreg:$0x4] =	wrdreg $0xC0  }
0xab: {  	_ =	task [dreg:s6], $0x5FFFF  }
0xac: {  	[dreg:$0x1] =	wrdreg $0xFFFFFFFF  }
0xad: {  	[dreg:$0x0] =	wrdreg $0x60  }
0xae: {  	[dreg:$0x2] =	wrdreg s24  }
0xaf: {  	[dreg:$0x3] =	wrdreg $0x9  }
0xb0: {  	_ =	task.clear_ibuf [dreg:s6], $0x4FFFF;
	_ =	strace $0x90000049  }
0xb1: {  	s29 =	simm.s32 $0x9;
	_ =	strace $0x8000004B  }
0xb2: {  	_ =	swait.ge [sflag:s29], $0x1  }
0xb3: {  	[sflag:s29] =	ssyncadd.s32 $0xFFFFFFFF  }
0xb4: {  	_ =	strace $0x9000004B  }
0xb5: {  	_ =	sfence  }
0xb6: {  	s30 =	sld [smem:$0x0];
	_ =	sdelay $0x2  }
0xb7: {  	s31 =	sshll.u32 s1, $0xD;
	s1 =	sshrl.u32 s1, $0x2  }
0xb8: {  	s3 =	sand.u32 $0x4000, s31;
	s1 =	sadd.s32 s1, s30  }
0xb9: {  	s0 =	sor.u32 s3, s0;
	s1 =	sshll.u32 s1, $0x11  }
0xba: {  	s0 =	sor.u32 s1, s0  }
0xbb: {  	s0 =	sadd.s32 $0x8F2B, s0  }
0xbc: {  	[sflag:s0] =	ssyncadd.remote.s32 $0x1  }
0xbd: {  	_ =	sfence.sel $0xFFFF  }
0xbe: {  	[dreg:$0x0] =	wrdreg $0xFFFFFFFF;
	(pc) =	sbr.abs _section_cstart, $3  }
0xbf: {  	[dreg:$0x1] =	wrdreg $0xFFFFFFFF  }
0xc0: {  	_ =	task.clear_ibuf [dreg:s6], $0x2FFFF;
	_ =	strace $0x9FFFFFFF  }
0xc1: {  	(tm) =	ssettm $0x7FFFFFFF  }
tec
execute0_lowered:
.L_overlay_start_1:
0x0: {  	(tag) =	ssettag $0x1  }
0x1: {  	s4 =	rddreg [dreg:$0x0]  }
0x2: {  	s0 =	rddreg [dreg:$0x1]  }
0x3: {  	s2 =	simm.s32 $0x0;
	s3 =	srdreg.scid;
	s1 =	stileid.u32  }
0x4: {  	s12 =	simm.s32 $0x100;
	s13 =	simm.s32 $0x10000;
	s14 =	simm.s32 $0x180  }
0x5: {  	s15 =	simm.s32 $0x14000;
	s16 =	simm.s32 $0x0;
	[smem:$0x7FF] =	sst s2  }
0x6: {  	s5 =	sand.u32 $0x1, s3;
	s6 =	sshll.u32 s1, $0xD;
	s8 =	smul.u32 $0x700000, s1  }
0x7: {  	s3 =	sadd.s32 $0xF63000, s4;
	s9 =	sadd.s32 $0x20C00, s4;
	s29 =	smul.u32 $0xE0000, s1  }
0x8: {  	_ =	strace $0x8000004A;
	s7 =	sshll.u32 s5, $0xC;
	s26 =	smul.u32 $0x380000, s5  }
0x9: {  	s28 =	ssub.s32 $0x2, s5;
	s11 =	smul.u32 $0x70000, s5;
	s6 =	sor.u32 s7, s6  }
0xa: {  	s10 =	sshrl.u32 s28, $0x1;
	s31 =	sadd.s32 s29, s9;
	s6 =	sadd.s32 s6, s4  }
0xb: {  	s7 =	sadd.s32 s26, s8;
	s10 =	ssub.s32 s28, s10;
	s8 =	simm.s32 $0x6  }
0xc: {  	s7 =	sor.u32 $0x1C00, s7;
	s4 =	sadd.s32 $0xC00, s6;
	s5 =	smax.u32 s10, $0x1  }
0xd: {  	s10 =	simm.s32 $0x8000;
	s30 =	sshrl.u32 s7, $0x3;
	s7 =	sadd.s32 s11, s31  }
0xe: {  	s11 =	simm.s32 $0xC000;
	s6 =	sadd.s32 s30, s9;
	s9 =	simm.s32 $0x80  }
.LBB2_1:
0xf: {  	[tilespmem:s2], [sflag:$0x6] =	stream.linear.gather [hbm4b:s4+s2], $0x8000, $0x38;
	[tilespmem:$0x1C000] =	vst v63  }
0x10: {  	p0 =	por $0x0, $0x0;
	s18 =	smul.u32 $0xCD, s2;
	_ =	swait.ge [sflag:s8], $0x8000  }
0x11: {  	s17 =	simm.s32 @!p0 $0x4;
	[sflag:s8] =	ssyncset.done $0x0  }
0x12: {  	s17 =	smul.u32 @!p0 $0xCD, s17;
	s18 =	sshrl.u32 s18, $0xA;
	[sflag:s8] =	ssyncadd.s32 $0xFFFF8000  }
0x13: {  	[tilespmem:s10], [sflag:$0x1] =	stream.indirect.gather [hbm4b:s3+s9], $0x80, s2, s9, $0xb8;
	[tilespmem:$0x1C000] =	vst v63  }
0x14: {  	s18 =	sand.u32 $0x3F, s18;
	s17 =	sshrl.u32 @!p0 s17, $0xA  }
0x15: {  	s18 =	smul.u32 $0x5, s18;
	s17 =	sand.u32 @!p0 $0x3F, s17  }
0x16: {  	[tilespmem:s11], [sflag:$0x2] =	stream.indirect.gather [hbm4b:s3+s9], $0x80, s9, s9, $0xb8;
	[tilespmem:$0x1C000] =	vst v63  }
0x17: {  	s20 =	simm.s32 $0x200;
	s17 =	smul.u32 @!p0 $0x5, s17  }
0x18: {  	[tilespmem:s13], [sflag:$0x3] =	stream.indirect.gather [hbm4b:s3+s9], $0x80, s12, s9, $0xb8;
	[tilespmem:$0x1C000] =	vst v63  }
0x19: {  	s21 =	simm.s32 $0x1;
	s19 =	simm.s32 $0x2;
	s17 =	ssub.s32 @!p0 $0x4, s17  }
0x1a: {  	s24 =	simm.s32 @!p0 $0x80;
	s18 =	ssub.s32 $0x0, s18;
	s17 =	sand.u32 @!p0 $0xFF, s17  }
0x1b: {  	[tilespmem:s15], [sflag:$0x4] =	stream.indirect.gather [hbm4b:s3+s9], $0x80, s14, s9, $0xb8;
	[tilespmem:$0x1C000] =	vst v63  }
0x1c: {  	s25 =	smul.u32 $0xCD, s21;
	s18 =	sand.u32 $0xFF, s18;
	s22 =	sshll.u32 @!p0 s17, $0xE  }
0x1d: {  	s23 =	sadd.s32 $0x1, s18;
	s17 =	sadd.s32 @!p0 $0x1, s17;
	s22 =	sadd.s32 @!p0 $0x8000, s22  }
0x1e: {  	[tilespmem:s22], [sflag:s17] =	stream.indirect.gather @!p0 [hbm4b:s3+s24], $0x80, s20, s24, $0xb8;
	[tilespmem:$0x1C000] =	vst v63  }
0x1f: {  	s22 =	sshll.u32 s18, $0xE;
	p0 =	por $0x0, $0x0;
	_ =	swait.ge [sflag:s23], $0x4000  }
0x20: {  	s17 =	sadd.s32 $0x700, s7;
	s24 =	simm.s32 @!p0 $0x5;
	[sflag:s23] =	ssyncset.done $0x0  }
0x21: {  	s31 =	sadd.s32 $0x8000, s22;
	s18 =	smul.u32 @!p0 $0xCD, s24;
	[sflag:s23] =	ssyncadd.s32 $0xFFFFC000  }
0x22: {  	[hbm4b:s7+s2] =	stream.linear.scatter [tilespmem:s31], [sflag:$0x6], $0x1C00, $0x38;
	[tilespmem:$0x1C000] =	vst v63  }
0x23: {  	s20 =	simm.s32 $0x280;
	s23 =	smov.u32 s6;
	s18 =	sshrl.u32 @!p0 s18, $0xA  }
0x24: {  	_ =	swait.ge [sflag:s8], $0x1C00;
	s26 =	sand.u32 @!p0 $0x3F, s18;
	s18 =	sadd.s32 $0x700, s6  }
.LBB2_2:
0x25: {  	s25 =	sshrl.u32 s25, $0xA;
	s26 =	smul.u32 @!p0 $0x5, s26  }
0x26: {  	s28 =	smov.u32 s19;
	s19 =	sadd.s32 $0x1, s19;
	s29 =	smov.u32 s17  }
0x27: {  	p1 =	sne.s32 s19, $0x100;
	s25 =	sand.u32 $0x3F, s25  }
0x28: {  	s25 =	smul.u32 $0x5, s25;
	s24 =	ssub.s32 @!p0 s24, s26;
	[sflag:s8] =	ssyncset.done $0x0  }
0x29: {  	s22 =	sadd.s32 $0xA000, s22;
	s24 =	sand.u32 @!p0 $0xFF, s24;
	[sflag:s8] =	ssyncadd.s32 $0xFFFFE400  }
0x2a: {  	s21 =	ssub.s32 s21, s25;
	s25 =	sshll.u32 @!p0 s24, $0xE;
	s24 =	sadd.s32 @!p0 $0x1, s24  }
0x2b: {  	[hbm4b:s23+s2] =	stream.linear.scatter [tilespmem:s22], [sflag:$0x6], $0x1C00, $0x38;
	[tilespmem:$0x1C000] =	vst v63  }
0x2c: {  	s21 =	sand.u32 $0xFF, s21;
	s23 =	sadd.s32 @!p0 $0x8000, s25;
	_ =	swait.ge [sflag:s8], $0x1C00  }
0x2d: {  	s25 =	sadd.s32 $0x1, s21;
	s22 =	sshll.u32 s21, $0xE;
	[sflag:s8] =	ssyncset.done $0x0  }
0x2e: {  	s26 =	simm.s32 @!p0 $0x80;
	s21 =	smov.u32 s28;
	[sflag:s8] =	ssyncadd.s32 $0xFFFFE400  }
0x2f: {  	[tilespmem:s23], [sflag:s24] =	stream.indirect.gather @!p0 [hbm4b:s3+s26], $0x80, s20, s26, $0xb8;
	[tilespmem:$0x1C000] =	vst v63  }
0x30: {  	p0 =	sgt.u32 s21, $0xFB;
	s23 =	smov.u32 s18  }
0x31: {  	s17 =	sadd.s32 $0x700, s17;
	_ =	swait.ge [sflag:s25], $0x4000  }
.Ltmp0:
0x32: {  	s24 =	sadd.s32 @!p0 $0x4, s21;
	[sflag:s25] =	ssyncset.done $0x0;
	(pc) =	sbr.rel @p1 .LBB2_2-.Ltmp0, $4  }
0x33: {  	s26 =	smul.u32 @!p0 $0xCD, s24;
	[sflag:s25] =	ssyncadd.s32 $0xFFFFC000;
	s25 =	sadd.s32 $0x8000, s22  }
0x34: {  	[hbm4b:s29+s2] =	stream.linear.scatter [tilespmem:s25], [sflag:$0x6], $0x1C00, $0x38;
	[tilespmem:$0x1C000] =	vst v63  }
0x35: {  	s26 =	sshrl.u32 @!p0 s26, $0xA;
	s25 =	smul.u32 $0xCD, s21;
	_ =	swait.ge [sflag:s8], $0x1C00  }
0x36: {  	s20 =	sadd.s32 $0x80, s20;
	s18 =	sadd.s32 $0x700, s18;
	s26 =	sand.u32 @!p0 $0x3F, s26  }
0x37: {  	s19 =	sshrl.u32 s25, $0xA;
	s25 =	smul.u32 @!p0 $0x5, s26  }
0x38: {  	[sflag:s8] =	ssyncset.done $0x0;
	s22 =	sadd.s32 $0xA000, s22;
	s19 =	sand.u32 $0x3F, s19  }
0x39: {  	[sflag:s8] =	ssyncadd.s32 $0xFFFFE400;
	s19 =	smul.u32 $0x5, s19;
	s24 =	ssub.s32 @!p0 s24, s25  }
0x3a: {  	[hbm4b:s23+s2] =	stream.linear.scatter [tilespmem:s22], [sflag:$0x6], $0x1C00, $0x38;
	[tilespmem:$0x1C000] =	vst v63  }
0x3b: {  	s24 =	sand.u32 @!p0 $0xFF, s24;
	_ =	swait.ge [sflag:s8], $0x1C00  }
0x3c: {  	s19 =	ssub.s32 s21, s19;
	s21 =	sshll.u32 @!p0 s24, $0xE;
	s22 =	sadd.s32 @!p0 $0x1, s24  }
0x3d: {  	[sflag:s8] =	ssyncset.done $0x0;
	s24 =	simm.s32 @!p0 $0x80;
	s19 =	sand.u32 $0xFF, s19  }
0x3e: {  	s21 =	sadd.s32 @!p0 $0x8000, s21;
	[sflag:s8] =	ssyncadd.s32 $0xFFFFE400;
	s29 =	sadd.s32 $0x1, s19  }
0x3f: {  	[tilespmem:s21], [sflag:s22] =	stream.indirect.gather @!p0 [hbm4b:s3+s24], $0x80, s20, s24, $0xb8;
	[tilespmem:$0x1C000] =	vst v63  }
0x40: {  	_ =	swait.ge [sflag:s29], $0x4000  }
0x41: {  	s19 =	sshll.u32 s19, $0xE;
	[sflag:s29] =	ssyncset.done $0x0  }
0x42: {  	s30 =	sadd.s32 $0x8000, s19;
	[sflag:s29] =	ssyncadd.s32 $0xFFFFC000  }
0x43: {  	[hbm4b:s17+s2] =	stream.linear.scatter [tilespmem:s30], [sflag:$0x6], $0x1C00, $0x38;
	[tilespmem:$0x1C000] =	vst v63  }
0x44: {  	s16 =	sadd.s32 $0x1, s16;
	_ =	swait.ge [sflag:s8], $0x1C00  }
0x45: {  	p0 =	sne.s32 s16, s5;
	[sflag:s8] =	ssyncset.done $0x0  }
.Ltmp1:
0x46: {  	s31 =	sadd.s32 $0xA000, s19;
	[sflag:s8] =	ssyncadd.s32 $0xFFFFE400;
	(pc) =	sbr.rel @p0 .LBB2_1-.Ltmp1, $4  }
0x47: {  	[hbm4b:s18+s2] =	stream.linear.scatter [tilespmem:s31], [sflag:$0x6], $0x1C00, $0x38;
	[tilespmem:$0x1C000] =	vst v63  }
0x48: {  	_ =	swait.ge [sflag:s8], $0x1C00  }
0x49: {  	[sflag:s8] =	ssyncset.done $0x0  }
0x4a: {  	[sflag:s8] =	ssyncadd.s32 $0xFFFFE400  }
0x4b: {  	_ =	sfence.sel $0x180000  }
0x4c: {  	[bflag:$0x0] =	sbarrier.arrive $0xFFFF  }
0x4d: {  	p0 =	sne.s32 s1, $0x0;
	_ =	strace $0x9000004A  }
0x4e: {  	s0 =	sadd.s32 @!p0 $0x100000, s0;
	[bflag:$0x2] =	sbarrier.arrive $0xFFFF  }
0x4f: {  	[sflag:s0] =	ssyncadd.tile.s32 @!p0 $0x1;
	_ =	shalt  }
.Lfunc_end2:
_tile_overlayer_lowered:
.L_overlay_start_2:
0x50: {  	(tag) =	ssettag $0x2  }
0x51: {  	s0 =	rddreg [dreg:$0x0];
	s2 =	stileid.u32  }
0x52: {  	s1 =	rddreg [dreg:$0x1];
	p0 =	sne.s32 s2, $0x0  }
0x53: {  	s3 =	rddreg [dreg:$0x2];
	[bflag:$0x3] =	sbarrier.arrive $0xFFFF;
	s2 =	simm.s32 @!p0 $0x1C06  }
0x54: {  	[timem:s3], [sflag:s2] =	dma.local @!p0 [hbm:s0], s1  }
0x55: {  	s0 =	simm.s32 @!p0 $0x6  }
0x56: {  	_ =	swait.ge @!p0 [sflag:s0], s1  }
0x57: {  	s1 =	ssub.s32 @!p0 $0x0, s1;
	[sflag:s0] =	ssyncset.done @!p0 $0x0  }
0x58: {  	[sflag:s0] =	ssyncadd.s32 @!p0 s1  }
0x59: {  	[bflag:$0x3] =	sbarrier.arrive $0xFFFF  }
0x5a: {  	_ =	shalt  }

// kernel: sparse-core-data-format-call.cloned.1.call-start
scs
called_computation_lowered:
.L_overlay_start_0:
0x0: {  	s2 =	sld [smem:$0x3FD9]  }
0x1: {  	s3 =	sld [smem:$0x3FFE];
	_ =	sdelay $0x1  }
0x2: {  	s1 =	srdreg.scid  }
0x3: {  	s0 =	sand.u32 $0x1, s1  }
0x4: {  	s18 =	sshll.u32 s0, $0xA;
	s2 =	sadd.s32 s3, s2  }
0x5: {  	s2 =	sadd.s32 s2, s18  }
0x6: {  	[smem:$0x3FC6] =	sst s2  }
0x7: {  	_ = 	snop  }
0x8: {  	s2 =	sld [smem:$0x3FD0];
	(tm) =	ssettm $0x1  }
0x9: {  	s19 =	sld [smem:$0x3FFB];
	_ =	sdelay $0x3  }
0xa: {  	_ =	strace s19  }
0xb: {  	s3 =	sld [smem:$0x3FFC];
	_ =	sdelay $0x3  }
0xc: {  	_ =	strace s3  }
0xd: {  	s3 =	sld [smem:$0x3FFD];
	_ =	sdelay $0x3  }
0xe: {  	_ =	strace s3  }
0xf: {  	_ =	strace $0x8FFFFFFF  }
0x10: {  	s20 =	sld [smem:$0x3FDB];
	_ =	sdelay $0x1  }
0x11: {  	s4 =	simm.s32 $_scs_section_size  }
0x12: {  	s5 =	simm.s32 $_size__tile_overlayer_lowered;
	s6 =	simm.s32 $_tile_overlayer_lowered  }
0x13: {  	s23 =	simm.s32 $0x1BFF;
	s22 =	sshll.u32 s6, $0x1;
	s3 =	sadd.s32 s4, s20  }
0x14: {  	s7 =	simm.s32 $0x0;
	s21 =	sshll.u32 s5, $0x1;
	s5 =	sadd.s32 s22, s3  }
0x15: {  	[timem:s7], [sflag:s23] =	dma.local [hbm:s5], s21  }
0x16: {  	_ =	swait.ge [sflag:s23], s21  }
0x17: {  	s4 =	ssub.s32 $0x0, s21;
	[sflag:s23] =	ssyncset.done $0x0  }
0x18: {  	[sflag:s23] =	ssyncadd.s32 s4;
	_ =	sdelay $0x1  }
0x19: {  	s24 =	simm.s32 $0x1B8B  }
0x1a: {  	_ =	swait.ge [sflag:s24], $0x1  }
0x1b: {  	[sflag:s24] =	ssyncset.done $0x0  }
0x1c: {  	s26 =	simm.s32 $0x1B8E;
	s25 =	sld [smem:$0x3FFE];
	[sflag:s24] =	ssyncadd.s32 $0xFFFFFFFF  }
0x1d: {  	s27 =	simm.s32 $execute0_lowered;
	[smem:$0x3FD2] =	sst s26  }
0x1e: {  	s5 =	sshll.u32 s27, $0x1;
	_ =	strace $0x8000004C;
	[dreg:$0x1] =	wrdreg $0xFFFFFFFF  }
0x1f: {  	s28 =	simm.s32 $_size_execute0_lowered;
	s3 =	sadd.s32 s3, s5;
	[dreg:$0x0] =	wrdreg $0x0  }
0x20: {  	s5 =	sshll.u32 s28, $0x1;
	[dreg:$0x2] =	wrdreg s3  }
0x21: {  	[dreg:$0x3] =	wrdreg s5  }
0x22: {  	[dreg:$0x4] =	wrdreg $0xC0  }
0x23: {  	_ =	task [dreg:s7], $0x5FFFF  }
0x24: {  	[dreg:$0x1] =	wrdreg $0xFFFFFFFF  }
0x25: {  	[dreg:$0x0] =	wrdreg $0x60  }
0x26: {  	[dreg:$0x2] =	wrdreg s25  }
0x27: {  	[dreg:$0x3] =	wrdreg s2  }
0x28: {  	[dreg:$0x4] =	wrdreg $0x9  }
0x29: {  	_ =	task.clear_ibuf [dreg:s7], $0x5FFFF;
	_ =	strace $0x9000004C  }
0x2a: {  	s29 =	simm.s32 $0x9;
	_ =	strace $0x8000004E  }
0x2b: {  	_ =	swait.ge [sflag:s29], $0x1  }
0x2c: {  	[sflag:s29] =	ssyncadd.s32 $0xFFFFFFFF  }
0x2d: {  	_ =	strace $0x9000004E  }
0x2e: {  	_ =	sfence  }
0x2f: {  	s30 =	sld [smem:$0x0];
	_ =	sdelay $0x2  }
0x30: {  	s31 =	sshll.u32 s1, $0xD;
	s1 =	sshrl.u32 s1, $0x2  }
0x31: {  	s3 =	sand.u32 $0x4000, s31;
	s1 =	sadd.s32 s1, s30  }
0x32: {  	s0 =	sor.u32 s3, s0;
	s1 =	sshll.u32 s1, $0x11  }
0x33: {  	s0 =	sor.u32 s1, s0  }
0x34: {  	s0 =	sadd.s32 $0x8F2B, s0  }
0x35: {  	[sflag:s0] =	ssyncadd.remote.s32 $0x1  }
0x36: {  	_ =	sfence.sel $0xFFFF  }
0x37: {  	[dreg:$0x0] =	wrdreg $0xFFFFFFFF;
	(pc) =	sbr.abs _section_cstart, $3  }
0x38: {  	[dreg:$0x1] =	wrdreg $0xFFFFFFFF  }
0x39: {  	_ =	task.clear_ibuf [dreg:s7], $0x2FFFF;
	_ =	strace $0x9FFFFFFF  }
0x3a: {  	(tm) =	ssettm $0x7FFFFFFF  }
0x3b: {  	_ =	shalt  }
tec
execute0_lowered:
.L_overlay_start_1:
0x0: {  	(tag) =	ssettag $0x1  }
0x1: {  	s0 =	srdreg.scid  }
0x2: {  	s1 =	sshll.u32 s0, $0x4  }
0x3: {  	s0 =	stileid.u32;
	s1 =	sand.u32 $0x10, s1  }
0x4: {  	s1 =	sor.u32 s0, s1  }
0x5: {  	s6 =	rddreg [dreg:$0x0];
	s4 =	simm.s32 $0x1;
	s2 =	sshll.u32 s1, $0x7  }
0x6: {  	s7 =	simm.s32 $0x2;
	s12 =	simm.s32 $0x0;
	s1 =	ssub.s32 $0x4000, s2  }
0x7: {  	s8 =	simm.s32 $0x20000;
	s13 =	simm.s32 $0x0;
	s3 =	sand.u32 $0xF80, s1  }
0x8: {  	s9 =	simm.s32 $0x0;
	s5 =	sshrl.u32 s1, $0xC;
	p0 =	sne.s32 s3, $0x0  }
.Ltmp0:
0x9: {  	s1 =	rddreg [dreg:$0x2];
	s4 =	simm.s32 @!p0 $0x0;
	(pc) =	sbr.rel .LBB1_1-.Ltmp0, $4  }
0xa: {  	s11 =	simm.s32 $0x0;
	s3 =	rddreg [dreg:$0x1];
	s5 =	sadd.s32 s4, s5  }
0xb: {  	_ =	strace $0x8000004D;
	s4 =	simm.s32 $0x1;
	s5 =	smul.u32 $0x32, s5  }
0xc: {  	s6 =	sadd.s32 $0x20C00, s6;
	s10 =	smov.u32 s2;
	[sflag:s4] =	ssyncpa.u1 $0x0  }
0xd: {  	p0 =	por $0x0, $0x0;
	[sflag:s7] =	ssyncpa.u1 $0x0;
	s7 =	sor.u32 $0x1, s5  }
.LBB1_4:
0xe: {  	s16 =	sshll.u32 s13, $0x3;
	s17 =	sand.u32 $0x78, s13  }
0xf: {  	s30 =	sand.u32 $0x1F800, s13;
	s12 =	sshll.u32 s12, $0x11;
	s16 =	sand.u32 $0x3C00, s16  }
0x10: {  	[tilespmem:s15+$0x810 ss:$0x81] =	vst.msk $0xffff, v2;
	s31 =	sand.u32 $0x7, s13;
	s16 =	sor.u32 s17, s16;
	s17 =	sadd.s32 s3, s30  }
0x11: {  	[tilespmem:s15+$0x1020 ss:$0x81] =	vst.msk $0xffff, v0;
	s13 =	sshll.u32 s31, $0x12;
	s12 =	sadd.s32 s12, s17;
	s16 =	sshrl.u32 s16, $0x3  }
0x12: {  	[tilespmem:s15+$0x0 ss:$0x81] =	vst.msk $0xffff, v1;
	s13 =	sor.u32 $0x400, s13;
	s12 =	sadd.s32 s16, s12  }
0x13: {  	[hbm4b:s12+s13] =	stream.strided.scatter [tilespmem:s14], [sflag:$0x2], $0x2000, s8, s13, $0x20;
	[tilespmem:$0x8080] =	vst v63  }
.LBB1_5:
0x14: {  	s14 =	sadd.s32 $0x1, s9  }
0x15: {  	s12 =	sadd.s32 $0x1000, s10;
	s16 =	smov.u32 s10;
	p2 =	sgt.s32 s14, $0x31  }
0x16: {  	s16 =	smov.u32 @p2 s12  }
0x17: {  	s14 =	simm.s32 @p2 $0x0;
	p2 =	sgt.s32 s16, $0x3FFF  }
0x18: {  	s16 =	smov.u32 @p2 s2;
	p2 =	sne.s32 s11, s7  }
.Ltmp1:
0x19: {  	p1 =	slt.u32 s11, $0x2;
	(pc) =	sbr.rel @!p2 .LBB1_6-.Ltmp1, $4  }
0x1a: {  	s15 =	simm.s32 @!p1 $0x2  }
0x1b: {  	s13 =	smov.u32 s10;
	p0 =	por !p0, !p0;
	_ =	swait.ge @!p1 [sflag:s15], $0x2000  }
0x1c: {  	s12 =	smov.u32 s9;
	[sflag:s15] =	ssyncset.done @!p1 $0x0;
	s9 =	smov.u32 s14  }
0x1d: {  	s11 =	sadd.s32 $0x1, s11;
	[sflag:s15] =	ssyncadd.s32 @!p1 $0xFFFFE000;
	s10 =	smov.u32 s16  }
.LBB1_1:
0x1e: {  	p1 =	sge.u32 s11, s5  }
0x1f: {  	s14 =	sand.u32 @!p1 $0x1FFFFFF, s9  }
0x20: {  	s15 =	smulhi.u32 @!p1 $0x4924925, s14;
	_ =	sdelay $0x1  }
0x21: {  	s15 =	smul.u32 @!p1 $0x38, s15  }
0x22: {  	s16 =	sxor.u32 @!p1 $0xFFFFFFFF, s11;
	s17 =	smul.u32 @!p1 $0x380, s10  }
0x23: {  	s31 =	sadd.s32 $0xFFFFFFFF, s11;
	s16 =	sshll.u32 @!p1 s16, $0xD;
	s14 =	ssub.s32 @!p1 s14, s15  }
0x24: {  	s15 =	sand.u32 @!p1 $0x2000, s16;
	s16 =	sadd.s32 @!p1 s6, s17;
	s14 =	sshll.u32 @!p1 s14, $0x4  }
0x25: {  	s17 =	simm.s32 @!p1 $0x1C00;
	s14 =	sadd.s32 @!p1 s14, s16;
	s16 =	simm.s32 @!p1 $0x40  }
0x26: {  	[tilespmem:s15], [sflag:$0x1] =	stream.strided.gather @!p1 [hbm4b:s14+s16], $0x2000, s17, s16, $0x38;
	[tilespmem:$0x8080] =	vst v63  }
0x27: {  	p1 =	sge.u32 s31, s5  }
.Ltmp2:
0x28: {  	_ = 	snop;
	(pc) =	sbr.rel @p1 .LBB1_5-.Ltmp2, $1  }
0x29: {  	_ =	sdelay $0x3  }
0x2a: {  	s14 =	simm.s32 $0x1  }
0x2b: {  	_ =	swait.ge [sflag:s4], $0x2000;
	s14 =	simm.s32 @!p0 $0x0  }
0x2c: {  	[sflag:s4] =	ssyncset.done $0x0;
	s15 =	sshll.u32 s14, $0xD  }
0x2d: {  	[sflag:s4] =	ssyncadd.s32 $0xFFFFE000;
	s18 =	sor.u32 $0x20, s15  }
0x2e: {  	s14 =	smul.u32 $0x8100, s14;
	v3 =	vld [tilespmem:s18+$0x10]  }
0x2f: {  	s30 =	sand.u32 $0x1, s11;
	v2 =	vld [tilespmem:s18+$0xFFFFFFF0]  }
0x30: {  	s15 =	smul.u32 $0x8100, s30;
	s14 =	sshrl.u32 s14, $0x2;
	v0 =	vld [tilespmem:s18+$0x0]  }
0x31: {  	v1 =	vld [tilespmem:s18+$0xFFFFFFE0];
	s16 =	sor.u32 $0x4000, s14  }
0x32: {  	s31 =	sshrl.u32 s15, $0x2;
	s15 =	sadd.s32 $0x0, s16  }
0x33: {  	s17 =	simm.s32 $0x4;
	s18 =	sadd.s32 $0x40, s18;
	s14 =	sor.u32 $0x4000, s31;
	[tilespmem:s15+$0x1830 ss:$0x81] =	vst.msk $0xffff, v3  }
.LBB1_3:
0x34: {  	v3 =	vld [tilespmem:s18+$0x10];
	p1 =	sne.s32 s17, $0x1FC;
	[tilespmem:s15+$0x810 ss:$0x81] =	vst.msk $0xffff, v2;
	s19 =	smov.u32 s17;
	s17 =	sadd.s32 $0x4, s17  }
.Ltmp3:
0x35: {  	v2 =	vld [tilespmem:s18+$0xFFFFFFF0];
	[tilespmem:s15+$0x1020 ss:$0x81] =	vst.msk $0xffff, v0;
	(pc) =	sbr.rel @p1 .LBB1_3-.Ltmp3, $4  }
0x36: {  	v0 =	vld [tilespmem:s18+$0x0];
	[tilespmem:s15+$0x0 ss:$0x81] =	vst.msk $0xffff, v1  }
0x37: {  	s15 =	sshra.s32 s19, $0x2;
	v1 =	vld [tilespmem:s18+$0xFFFFFFE0]  }
0x38: {  	s15 =	sadd.s32 s15, s16  }
0x39: {  	s18 =	sadd.s32 $0x40, s18;
	[tilespmem:s15+$0x1830 ss:$0x81] =	vst.msk $0xffff, v3  }
.Ltmp4:
0x3a: {  	_ = 	snop;
	(pc) =	sbr.rel .LBB1_4-.Ltmp4, $1  }
0x3b: {  	_ =	sdelay $0x3  }
.LBB1_6:
0x3c: {  	_ =	sfence.sel $0x180000  }
0x3d: {  	s2 =	simm.s32 $0x1;
	[bflag:$0x0] =	sbarrier.arrive $0xFFFF  }
0x3e: {  	s31 =	simm.s32 $0x2;
	[sflag:s2] =	ssyncpa.u1 $0x1  }
0x3f: {  	[sflag:s31] =	ssyncpa.u1 $0x1  }
0x40: {  	p0 =	sne.s32 s0, $0x0;
	_ =	strace $0x9000004D  }
0x41: {  	s0 =	sadd.s32 @!p0 $0x100000, s1;
	[bflag:$0x2] =	sbarrier.arrive $0xFFFF  }
0x42: {  	[sflag:s0] =	ssyncadd.tile.s32 @!p0 $0x1;
	_ =	shalt  }
.Lfunc_end1:
_tile_overlayer_lowered:
.L_overlay_start_2:
0x43: {  	(tag) =	ssettag $0x2  }
0x44: {  	s0 =	rddreg [dreg:$0x0];
	s2 =	stileid.u32  }
0x45: {  	s1 =	rddreg [dreg:$0x1];
	p0 =	sne.s32 s2, $0x0  }
0x46: {  	s3 =	rddreg [dreg:$0x2];
	[bflag:$0x3] =	sbarrier.arrive $0xFFFF;
	s2 =	simm.s32 @!p0 $0x1C01  }
0x47: {  	[timem:s3], [sflag:s2] =	dma.local @!p0 [hbm:s0], s1  }
0x48: {  	s0 =	simm.s32 @!p0 $0x1  }
0x49: {  	_ =	swait.ge @!p0 [sflag:s0], s1  }
0x4a: {  	s1 =	ssub.s32 @!p0 $0x0, s1;
	[sflag:s0] =	ssyncset.done @!p0 $0x0  }
0x4b: {  	[sflag:s0] =	ssyncadd.s32 @!p0 s1  }
0x4c: {  	[bflag:$0x3] =	sbarrier.arrive $0xFFFF  }
0x4d: {  	_ =	shalt  }

</sc_bundles>
